<compile_context>
chip_gen: v7x
topology: tpu7x:2x2x1
jax: 0.10.2.dev20260603
libtpu: 0.0.44.dev20260713+nightly
codegen_flags: <defaults>
</compile_context>

<pallas_src>
import functools

import jax
import jax.numpy as jnp
from jax import lax
from jax.experimental import pallas as pl
from jax.experimental.pallas import tpu as pltpu
from jax.experimental.pallas import tpu_sc as plsc

HEADS = 12
S = 2048
D = 768
K = 512
RW = 128
NRB = S // RW
SENTINEL = float(2.0 ** 126)

NC = 2
NS = 16
NW = NC * NS
RPT = (2 * K) // NW


def _prefix(m):
    m2 = m.reshape(16, 128)
    cc = lax.broadcasted_iota(jnp.int32, (128, 128), 0)
    dd = lax.broadcasted_iota(jnp.int32, (128, 128), 1)
    upper = (cc <= dd).astype(jnp.float32)
    within = jnp.dot(m2, upper, preferred_element_type=jnp.float32)
    rowtot = jnp.sum(m2, axis=1, keepdims=True)
    rr = lax.broadcasted_iota(jnp.int32, (16, 16), 0)
    ss = lax.broadcasted_iota(jnp.int32, (16, 16), 1)
    lower = (ss < rr).astype(jnp.float32)
    offs = jnp.dot(lower, rowtot, preferred_element_type=jnp.float32)
    return (within + offs).reshape(1, S)


def _score_body(a_ref, score_ref, posm_ref, acc8_ref, diag_ref):
    r = pl.program_id(1)

    hsum = a_ref[0] + a_ref[1]
    for h in range(2, HEADS):
        hsum = hsum + a_ref[h]
    avg = hsum / jnp.float32(HEADS)

    @pl.when(r == 0)
    def _():
        acc8_ref[...] = jnp.zeros((8, S), jnp.float32)
        diag_ref[...] = jnp.zeros((1, S), jnp.float32)

    acc = acc8_ref[...]
    for t in range(RW // 8):
        acc = acc + avg[t * 8:(t + 1) * 8, :]
    acc8_ref[...] = acc

    dsub = (a_ref[0, :, pl.ds(r * RW, RW)]
            + a_ref[1, :, pl.ds(r * RW, RW)])
    for h in range(2, HEADS):
        dsub = dsub + a_ref[h, :, pl.ds(r * RW, RW)]
    ii = lax.broadcasted_iota(jnp.int32, (RW, RW), 0)
    jj = lax.broadcasted_iota(jnp.int32, (RW, RW), 1)
    dvals = jnp.sum(jnp.where(ii == jj, dsub, 0.0), axis=0, keepdims=True)
    diag_ref[:, pl.ds(r * RW, RW)] = dvals

    @pl.when(r == NRB - 1)
    def _():
        s4 = acc8_ref[0:4, :] + acc8_ref[4:8, :]
        s2 = s4[0:2, :] + s4[2:4, :]
        rowsum = s2[0:1, :] + s2[1:2, :]
        score = rowsum - diag_ref[...] / jnp.float32(HEADS)
        colid = lax.broadcasted_iota(jnp.int32, (1, S), 1)
        score = jnp.where(colid == 0, SENTINEL, score)
        bits = lax.bitcast_convert_type(score, jnp.int32)
        bits16 = bits.reshape(16, 128)

        def scond(lohi):
            return lohi[0] < lohi[1]

        def sbody(lohi):
            lo, hi = lohi
            mid = lo + (hi - lo + 1) // 2
            c = jnp.sum((bits16 >= mid).astype(jnp.int32))
            take = c >= jnp.int32(K)
            return (jnp.where(take, mid, lo),
                    jnp.where(take, hi, mid - 1))

        lo, _ = lax.while_loop(
            scond, sbody, (jnp.int32(0), jnp.int32(0x7F000000)))
        gt = bits > lo
        eq = bits == lo
        cgt = jnp.sum(gt.astype(jnp.int32))
        rank_eq = _prefix(eq.astype(jnp.float32))
        budget = (jnp.int32(K) - cgt).astype(jnp.float32)
        sel = jnp.logical_or(gt, jnp.logical_and(eq, rank_eq <= budget))
        pos = _prefix(sel.astype(jnp.float32)) - 1.0
        score_ref[0] = score
        posm_ref[0, 0:1, :] = pos.astype(jnp.int32)
        posm_ref[0, 1:2, :] = sel.astype(jnp.int32)


def _scores_and_positions(atten):
    return pl.pallas_call(
        _score_body,
        grid=(2, NRB),
        in_specs=[pl.BlockSpec((HEADS, RW, S), lambda b, r: (b, r, 0))],
        out_specs=[
            pl.BlockSpec((1, 1, S), lambda b, r: (b, 0, 0)),
            pl.BlockSpec((1, 2, S), lambda b, r: (b, 0, 0)),
        ],
        out_shape=[
            jax.ShapeDtypeStruct((2, 1, S), jnp.float32),
            jax.ShapeDtypeStruct((2, 2, S), jnp.int32),
        ],
        scratch_shapes=[
            pltpu.VMEM((8, S), jnp.float32),
            pltpu.VMEM((1, S), jnp.float32),
        ],
        compiler_params=pltpu.CompilerParams(
            dimension_semantics=("arbitrary", "arbitrary")),
    )(atten)


def _sc_extract_body(posm_hbm, x_hbm, out_hbm, posv, selv, idxv, rows, sem):
    cid = lax.axis_index("c")
    sid = lax.axis_index("s")
    wid = sid * NC + cid
    b = wid // (NW // 2)
    slot = wid - b * (NW // 2)

    pltpu.sync_copy(posm_hbm.at[b, 0], posv)
    pltpu.sync_copy(posm_hbm.at[b, 1], selv)

    def chunk(i, carry):
        for u in range(8):
            c = i * 8 + u
            p = posv[pl.ds(c * 16, 16)]
            s = selv[pl.ds(c * 16, 16)]
            lane_idx = b * S + c * 16 + lax.iota(jnp.int32, 16)
            plsc.store_scatter(idxv, [p], lane_idx, mask=(s != 0))
        return carry

    lax.fori_loop(0, S // 128, chunk, jnp.int32(0))

    base = slot * RPT
    idx_a = idxv[pl.ds(base, 16)]
    idx_b = idxv[pl.ds(base + 16, 16)]
    g1 = pltpu.async_copy(x_hbm.at[idx_a], rows.at[pl.ds(0, 16)], sem)
    g2 = pltpu.async_copy(x_hbm.at[idx_b], rows.at[pl.ds(16, 16)], sem)
    g1.wait()
    g2.wait()
    pltpu.sync_copy(rows, out_hbm.at[pl.ds(b * K + base, RPT)])


def _sc_extract(posm, x2):
    mesh = plsc.VectorSubcoreMesh(core_axis_name="c", subcore_axis_name="s")
    fn = functools.partial(
        pl.kernel,
        mesh=mesh,
        out_type=jax.ShapeDtypeStruct((2 * K, D), jnp.float32),
        scratch_types=[
            pltpu.VMEM((S,), jnp.int32),
            pltpu.VMEM((S,), jnp.int32),
            pltpu.VMEM((K,), jnp.int32),
            pltpu.VMEM((RPT, D), jnp.float32),
            pltpu.SemaphoreType.DMA,
        ],
        compiler_params=pltpu.CompilerParams(needs_layout_passes=False),
    )(_sc_extract_body)
    return fn(posm, x2)


def kernel(x, atten, index):
    del index
    _, posm = _scores_and_positions(atten)
    x2 = x.reshape(2 * S, D)
    out = _sc_extract(posm, x2)
    return out.reshape(2, K, D)

# --- scband reference (transcript-rebuilt; emitter-appended) ---
"""Pipeline reference for scband-hard-extract-36584531427453 (READ-ONLY COPY).

The authoritative reference and input builder live on the scoring server;
editing this copy changes nothing except your own understanding.
"""

import jax, jax.numpy as jnp
import numpy as np


def setup_inputs(seed: int = 0) -> dict:
    key = jax.random.key(seed)
    k1, k2 = jax.random.split(key)
    x = jax.random.normal(k1, (2, 2048, 768), dtype=jnp.float32)
    atten = jax.random.uniform(k2, (24, 2048, 2048), dtype=jnp.float32)
    return {"x": x, "atten": atten, "index": 512}


def reference(x, atten, index):
    head_num = 12
    bh, S, _ = atten.shape
    B = bh // head_num
    INDEX = 512  # static value always supplied by setup_inputs
    # calc_avg_atten: reshape to (B, heads, S, S), permute to (B, S, heads, S), mean over heads
    a = atten.reshape(B, head_num, S, S)
    a = jnp.transpose(a, (0, 2, 1, 3))
    avg_atten = jnp.mean(a, axis=2)  # [B, S, S]
    # atten_col: column attention mass minus self-attention (diagonal)
    row_sum = jnp.sum(avg_atten, axis=1)  # [B, S]
    diag = jnp.diagonal(avg_atten, axis1=1, axis2=2)  # [B, S]
    attended_by = row_sum - diag
    # drop CLS position 0 before top-k
    attended_by = attended_by[:, 1:]
    _, top_idx = jax.lax.top_k(attended_by, INDEX - 1)  # sorted descending, matches tf sorted=True
    top_idx = (top_idx + 1).astype(jnp.int32)  # shift back past CLS
    # always keep CLS token (position 0)
    cls = jnp.zeros((x.shape[0], 1), dtype=jnp.int32)
    idx = jnp.concatenate([top_idx, cls], axis=1)  # [B, index]
    idx = jnp.sort(idx, axis=1)
    idx = idx + (jnp.asarray(index) - INDEX).astype(jnp.int32)
    # gather_nd with batch_dims=1 == take_along_axis on axis 1
    out = jnp.take_along_axis(x, idx[:, :, None], axis=1)  # [B, index, d]
    return out

if __name__ == "__main__":
    import jax
    _d = setup_inputs()
    print(jax.jit(kernel)(*tuple(_d.values())))

</pallas_src>

<mosaic_0001>
#map = affine_map<(d0, d1) -> (0, 0, 0)>
#map1 = affine_map<(d0, d1) -> (0, 0)>
module attributes {stable_mosaic.version = 14 : i64} {
  func.func @_sc_extract_body(%arg0: i32, %arg1: i32, %arg2: memref<2x2x2048xi32, #tpu.memory_space<hbm>>, %arg3: memref<4096x768xf32, #tpu.memory_space<hbm>>, %arg4: memref<1024x768xf32, #tpu.memory_space<hbm>>, %arg5: memref<2048xi32, #tpu.memory_space<vmem>>, %arg6: memref<2048xi32, #tpu.memory_space<vmem>>, %arg7: memref<512xi32, #tpu.memory_space<vmem>>, %arg8: memref<32x768xf32, #tpu.memory_space<vmem>>, %arg9: memref<!tpu.dma_semaphore, #tpu.memory_space<semaphore_mem>>) attributes {dimension_semantics = [#tpu.dimension_semantics<core_parallel>, #tpu.dimension_semantics<subcore_parallel>], iteration_bounds = array<i64: 2, 16>, scalar_prefetch = 0 : i64, scratch_operands = 5 : i64, tpu.core_type = #tpu.core_type<sc_vector_subcore>, window_params = [{transform_indices = #map}, {transform_indices = #map1}, {transform_indices = #map1}]} {
    %mul3A = arith.constant 2 : i32
    %mul3A_0 = arith.muli %arg1, %mul3A : i32
    %add3A = arith.addi %mul3A_0, %arg0 : i32
    %jit3A = arith.constant 16 : i32
    %div3A = arith.divsi %add3A, %jit3A : i32
    %sign3A = arith.constant 0 : i32
    %sign3A_1 = arith.cmpi sgt, %add3A, %sign3A : i32
    %sign3A_2 = arith.extui %sign3A_1 : i1 to i32
    %sign3A_3 = arith.constant 0 : i32
    %sign3A_4 = arith.cmpi slt, %add3A, %sign3A_3 : i32
    %sign3A_5 = arith.extui %sign3A_4 : i1 to i32
    %sign3A_6 = arith.subi %sign3A_2, %sign3A_5 : i32
    %sign3A_7 = arith.constant 0 : i32
    %sign3A_8 = arith.cmpi sgt, %jit3A, %sign3A_7 : i32
    %sign3A_9 = arith.extui %sign3A_8 : i1 to i32
    %sign3A_10 = arith.constant 0 : i32
    %sign3A_11 = arith.cmpi slt, %jit3A, %sign3A_10 : i32
    %sign3A_12 = arith.extui %sign3A_11 : i1 to i32
    %sign3A_13 = arith.subi %sign3A_9, %sign3A_12 : i32
    %ne3A = arith.cmpi ne, %sign3A_6, %sign3A_13 : i32
    %rem3A = arith.remsi %add3A, %jit3A : i32
    %ne3A_14 = arith.constant 0 : i32
    %ne3A_15 = arith.cmpi ne, %rem3A, %ne3A_14 : i32
    %and3A = arith.andi %ne3A, %ne3A_15 : i1
    %sub3A = arith.constant 1 : i32
    %sub3A_16 = arith.subi %div3A, %sub3A : i32
    %select_n3A = arith.select %and3A, %sub3A_16, %div3A : i32
    %mul3A_17 = arith.constant 16 : i32
    %mul3A_18 = arith.muli %select_n3A, %mul3A_17 : i32
    %sub3A_19 = arith.subi %add3A, %mul3A_18 : i32
    %run_scoped3A = arith.constant 0 : i32
    "tpu.region"() ({
      %run_scoped3A_58 = tpu.sem_alloc : memref<!tpu.dma_semaphore, #tpu.memory_space<semaphore_mem>>
      %dma_start3A_59 = arith.constant 0 : i32
      %dma_start3A_60 = tpu.memref_slice %arg2[%select_n3A, %run_scoped3A, %dma_start3A_59] : memref<2x2x2048xi32, #tpu.memory_space<hbm>> -> memref<1x1x2048xi32, #tpu.memory_space<hbm>>
      %dma_start3A_61 = tpu.memref_squeeze %dma_start3A_60 : memref<1x1x2048xi32, #tpu.memory_space<hbm>> -> memref<2048xi32, #tpu.memory_space<hbm>>
      %dma_start3A_62 = arith.constant 0 : i32
      %dma_start3A_63 = tpu.memref_slice %arg2[%select_n3A, %run_scoped3A, %dma_start3A_62] : memref<2x2x2048xi32, #tpu.memory_space<hbm>> -> memref<1x1x2048xi32, #tpu.memory_space<hbm>>
      %dma_start3A_64 = tpu.memref_squeeze %dma_start3A_63 : memref<1x1x2048xi32, #tpu.memory_space<hbm>> -> memref<2048xi32, #tpu.memory_space<hbm>>
      tpu.enqueue_dma source(%dma_start3A_64 : memref<2048xi32, #tpu.memory_space<hbm>>) target(%arg5 : memref<2048xi32, #tpu.memory_space<vmem>>) target_semaphore(%run_scoped3A_58 : memref<!tpu.dma_semaphore, #tpu.memory_space<semaphore_mem>>)
      %dma_wait3A_65 = arith.constant 0 : i32
      %dma_wait3A_66 = tpu.memref_slice %arg2[%select_n3A, %run_scoped3A, %dma_wait3A_65] : memref<2x2x2048xi32, #tpu.memory_space<hbm>> -> memref<1x1x2048xi32, #tpu.memory_space<hbm>>
      %dma_wait3A_67 = tpu.memref_squeeze %dma_wait3A_66 : memref<1x1x2048xi32, #tpu.memory_space<hbm>> -> memref<2048xi32, #tpu.memory_space<hbm>>
      %dma_wait3A_68 = arith.constant 0 : i32
      %dma_wait3A_69 = tpu.memref_slice %arg2[%select_n3A, %run_scoped3A, %dma_wait3A_68] : memref<2x2x2048xi32, #tpu.memory_space<hbm>> -> memref<1x1x2048xi32, #tpu.memory_space<hbm>>
      %dma_wait3A_70 = tpu.memref_squeeze %dma_wait3A_69 : memref<1x1x2048xi32, #tpu.memory_space<hbm>> -> memref<2048xi32, #tpu.memory_space<hbm>>
      tpu.wait_dma2 semaphore(%run_scoped3A_58 : memref<!tpu.dma_semaphore, #tpu.memory_space<semaphore_mem>>) src(%dma_wait3A_70 : memref<2048xi32, #tpu.memory_space<hbm>>) dst(%arg5 : memref<2048xi32, #tpu.memory_space<vmem>>)
      tpu.yield
    }) : () -> ()
    %run_scoped3A_20 = arith.constant 1 : i32
    "tpu.region"() ({
      %run_scoped3A_58 = tpu.sem_alloc : memref<!tpu.dma_semaphore, #tpu.memory_space<semaphore_mem>>
      %dma_start3A_59 = arith.constant 0 : i32
      %dma_start3A_60 = tpu.memref_slice %arg2[%select_n3A, %run_scoped3A_20, %dma_start3A_59] : memref<2x2x2048xi32, #tpu.memory_space<hbm>> -> memref<1x1x2048xi32, #tpu.memory_space<hbm>>
      %dma_start3A_61 = tpu.memref_squeeze %dma_start3A_60 : memref<1x1x2048xi32, #tpu.memory_space<hbm>> -> memref<2048xi32, #tpu.memory_space<hbm>>
      %dma_start3A_62 = arith.constant 0 : i32
      %dma_start3A_63 = tpu.memref_slice %arg2[%select_n3A, %run_scoped3A_20, %dma_start3A_62] : memref<2x2x2048xi32, #tpu.memory_space<hbm>> -> memref<1x1x2048xi32, #tpu.memory_space<hbm>>
      %dma_start3A_64 = tpu.memref_squeeze %dma_start3A_63 : memref<1x1x2048xi32, #tpu.memory_space<hbm>> -> memref<2048xi32, #tpu.memory_space<hbm>>
      tpu.enqueue_dma source(%dma_start3A_64 : memref<2048xi32, #tpu.memory_space<hbm>>) target(%arg6 : memref<2048xi32, #tpu.memory_space<vmem>>) target_semaphore(%run_scoped3A_58 : memref<!tpu.dma_semaphore, #tpu.memory_space<semaphore_mem>>)
      %dma_wait3A_65 = arith.constant 0 : i32
      %dma_wait3A_66 = tpu.memref_slice %arg2[%select_n3A, %run_scoped3A_20, %dma_wait3A_65] : memref<2x2x2048xi32, #tpu.memory_space<hbm>> -> memref<1x1x2048xi32, #tpu.memory_space<hbm>>
      %dma_wait3A_67 = tpu.memref_squeeze %dma_wait3A_66 : memref<1x1x2048xi32, #tpu.memory_space<hbm>> -> memref<2048xi32, #tpu.memory_space<hbm>>
      %dma_wait3A_68 = arith.constant 0 : i32
      %dma_wait3A_69 = tpu.memref_slice %arg2[%select_n3A, %run_scoped3A_20, %dma_wait3A_68] : memref<2x2x2048xi32, #tpu.memory_space<hbm>> -> memref<1x1x2048xi32, #tpu.memory_space<hbm>>
      %dma_wait3A_70 = tpu.memref_squeeze %dma_wait3A_69 : memref<1x1x2048xi32, #tpu.memory_space<hbm>> -> memref<2048xi32, #tpu.memory_space<hbm>>
      tpu.wait_dma2 semaphore(%run_scoped3A_58 : memref<!tpu.dma_semaphore, #tpu.memory_space<semaphore_mem>>) src(%dma_wait3A_70 : memref<2048xi32, #tpu.memory_space<hbm>>) dst(%arg6 : memref<2048xi32, #tpu.memory_space<vmem>>)
      tpu.yield
    }) : () -> ()
    %scan3A = arith.constant 0 : i32
    %scan3A_21 = arith.constant 0 : i32
    %scan3A_22 = arith.constant 16 : i32
    %scan3A_23 = arith.addi %scan3A_21, %scan3A_22 : i32
    %scan3A_24 = arith.constant 1 : i32
    scf.for %scan3A_58 = %scan3A_21 to %scan3A_23 step %scan3A_24  : i32 {
      %mul3A_59 = arith.constant 8 : i32
      %mul3A_60 = arith.muli %scan3A_58, %mul3A_59 : i32
      %add3A_61 = arith.constant 0 : i32
      %add3A_62 = arith.addi %mul3A_60, %add3A_61 : i32
      %mul3A_63 = arith.constant 16 : i32
      %mul3A_64 = arith.muli %add3A_62, %mul3A_63 : i32
      %get3A_65 = arith.index_cast %mul3A_64 : i32 to index
      %get3A_66 = tpu.vector_load %arg5[%get3A_65] {strides = array<i32>} : memref<2048xi32, #tpu.memory_space<vmem>>, vector<16xi32>,
      %mul3A_67 = arith.constant 16 : i32
      %mul3A_68 = arith.muli %add3A_62, %mul3A_67 : i32
      %get3A_69 = arith.index_cast %mul3A_68 : i32 to index
      %get3A_70 = tpu.vector_load %arg6[%get3A_69] {strides = array<i32>} : memref<2048xi32, #tpu.memory_space<vmem>>, vector<16xi32>,
      %mul3A_71 = arith.constant 2048 : i32
      %mul3A_72 = arith.muli %select_n3A, %mul3A_71 : i32
      %mul3A_73 = arith.constant 16 : i32
      %mul3A_74 = arith.muli %add3A_62, %mul3A_73 : i32
      %add3A_75 = arith.addi %mul3A_72, %mul3A_74 : i32
      %iota3A = tpu.iota {dimensions = array<i32: 0>} : vector<16xi32>
      %add3A_76 = vector.broadcast %add3A_75 : i32 to vector<16xi32>
      %add3A_77 = arith.addi %add3A_76, %iota3A : vector<16xi32>
      %ne3A_78 = arith.constant 0 : i32
      %ne3A_79 = vector.broadcast %ne3A_78 : i32 to vector<16xi32>
      %ne3A_80 = arith.cmpi ne, %get3A_70, %ne3A_79 : vector<16xi32>
      tpu.vector_store_idx %arg7[%get3A_66], %add3A_77 masked %ne3A_80 : memref<512xi32, #tpu.memory_space<vmem>>[vector<16xi32>], vector<16xi32>, vector<16xi1>
      %mul3A_81 = arith.constant 8 : i32
      %mul3A_82 = arith.muli %scan3A_58, %mul3A_81 : i32
      %add3A_83 = arith.constant 1 : i32
      %add3A_84 = arith.addi %mul3A_82, %add3A_83 : i32
      %mul3A_85 = arith.constant 16 : i32
      %mul3A_86 = arith.muli %add3A_84, %mul3A_85 : i32
      %get3A_87 = arith.index_cast %mul3A_86 : i32 to index
      %get3A_88 = tpu.vector_load %arg5[%get3A_87] {strides = array<i32>} : memref<2048xi32, #tpu.memory_space<vmem>>, vector<16xi32>,
      %mul3A_89 = arith.constant 16 : i32
      %mul3A_90 = arith.muli %add3A_84, %mul3A_89 : i32
      %get3A_91 = arith.index_cast %mul3A_90 : i32 to index
      %get3A_92 = tpu.vector_load %arg6[%get3A_91] {strides = array<i32>} : memref<2048xi32, #tpu.memory_space<vmem>>, vector<16xi32>,
      %mul3A_93 = arith.constant 2048 : i32
      %mul3A_94 = arith.muli %select_n3A, %mul3A_93 : i32
      %mul3A_95 = arith.constant 16 : i32
      %mul3A_96 = arith.muli %add3A_84, %mul3A_95 : i32
      %add3A_97 = arith.addi %mul3A_94, %mul3A_96 : i32
      %iota3A_98 = tpu.iota {dimensions = array<i32: 0>} : vector<16xi32>
      %add3A_99 = vector.broadcast %add3A_97 : i32 to vector<16xi32>
      %add3A_100 = arith.addi %add3A_99, %iota3A_98 : vector<16xi32>
      %ne3A_101 = arith.constant 0 : i32
      %ne3A_102 = vector.broadcast %ne3A_101 : i32 to vector<16xi32>
      %ne3A_103 = arith.cmpi ne, %get3A_92, %ne3A_102 : vector<16xi32>
      tpu.vector_store_idx %arg7[%get3A_88], %add3A_100 masked %ne3A_103 : memref<512xi32, #tpu.memory_space<vmem>>[vector<16xi32>], vector<16xi32>, vector<16xi1>
      %mul3A_104 = arith.constant 8 : i32
      %mul3A_105 = arith.muli %scan3A_58, %mul3A_104 : i32
      %add3A_106 = arith.constant 2 : i32
      %add3A_107 = arith.addi %mul3A_105, %add3A_106 : i32
      %mul3A_108 = arith.constant 16 : i32
      %mul3A_109 = arith.muli %add3A_107, %mul3A_108 : i32
      %get3A_110 = arith.index_cast %mul3A_109 : i32 to index
      %get3A_111 = tpu.vector_load %arg5[%get3A_110] {strides = array<i32>} : memref<2048xi32, #tpu.memory_space<vmem>>, vector<16xi32>,
      %mul3A_112 = arith.constant 16 : i32
      %mul3A_113 = arith.muli %add3A_107, %mul3A_112 : i32
      %get3A_114 = arith.index_cast %mul3A_113 : i32 to index
      %get3A_115 = tpu.vector_load %arg6[%get3A_114] {strides = array<i32>} : memref<2048xi32, #tpu.memory_space<vmem>>, vector<16xi32>,
      %mul3A_116 = arith.constant 2048 : i32
      %mul3A_117 = arith.muli %select_n3A, %mul3A_116 : i32
      %mul3A_118 = arith.constant 16 : i32
      %mul3A_119 = arith.muli %add3A_107, %mul3A_118 : i32
      %add3A_120 = arith.addi %mul3A_117, %mul3A_119 : i32
      %iota3A_121 = tpu.iota {dimensions = array<i32: 0>} : vector<16xi32>
      %add3A_122 = vector.broadcast %add3A_120 : i32 to vector<16xi32>
      %add3A_123 = arith.addi %add3A_122, %iota3A_121 : vector<16xi32>
      %ne3A_124 = arith.constant 0 : i32
      %ne3A_125 = vector.broadcast %ne3A_124 : i32 to vector<16xi32>
      %ne3A_126 = arith.cmpi ne, %get3A_115, %ne3A_125 : vector<16xi32>
      tpu.vector_store_idx %arg7[%get3A_111], %add3A_123 masked %ne3A_126 : memref<512xi32, #tpu.memory_space<vmem>>[vector<16xi32>], vector<16xi32>, vector<16xi1>
      %mul3A_127 = arith.constant 8 : i32
      %mul3A_128 = arith.muli %scan3A_58, %mul3A_127 : i32
      %add3A_129 = arith.constant 3 : i32
      %add3A_130 = arith.addi %mul3A_128, %add3A_129 : i32
      %mul3A_131 = arith.constant 16 : i32
      %mul3A_132 = arith.muli %add3A_130, %mul3A_131 : i32
      %get3A_133 = arith.index_cast %mul3A_132 : i32 to index
      %get3A_134 = tpu.vector_load %arg5[%get3A_133] {strides = array<i32>} : memref<2048xi32, #tpu.memory_space<vmem>>, vector<16xi32>,
      %mul3A_135 = arith.constant 16 : i32
      %mul3A_136 = arith.muli %add3A_130, %mul3A_135 : i32
      %get3A_137 = arith.index_cast %mul3A_136 : i32 to index
      %get3A_138 = tpu.vector_load %arg6[%get3A_137] {strides = array<i32>} : memref<2048xi32, #tpu.memory_space<vmem>>, vector<16xi32>,
      %mul3A_139 = arith.constant 2048 : i32
      %mul3A_140 = arith.muli %select_n3A, %mul3A_139 : i32
      %mul3A_141 = arith.constant 16 : i32
      %mul3A_142 = arith.muli %add3A_130, %mul3A_141 : i32
      %add3A_143 = arith.addi %mul3A_140, %mul3A_142 : i32
      %iota3A_144 = tpu.iota {dimensions = array<i32: 0>} : vector<16xi32>
      %add3A_145 = vector.broadcast %add3A_143 : i32 to vector<16xi32>
      %add3A_146 = arith.addi %add3A_145, %iota3A_144 : vector<16xi32>
      %ne3A_147 = arith.constant 0 : i32
      %ne3A_148 = vector.broadcast %ne3A_147 : i32 to vector<16xi32>
      %ne3A_149 = arith.cmpi ne, %get3A_138, %ne3A_148 : vector<16xi32>
      tpu.vector_store_idx %arg7[%get3A_134], %add3A_146 masked %ne3A_149 : memref<512xi32, #tpu.memory_space<vmem>>[vector<16xi32>], vector<16xi32>, vector<16xi1>
      %mul3A_150 = arith.constant 8 : i32
      %mul3A_151 = arith.muli %scan3A_58, %mul3A_150 : i32
      %add3A_152 = arith.constant 4 : i32
      %add3A_153 = arith.addi %mul3A_151, %add3A_152 : i32
      %mul3A_154 = arith.constant 16 : i32
      %mul3A_155 = arith.muli %add3A_153, %mul3A_154 : i32
      %get3A_156 = arith.index_cast %mul3A_155 : i32 to index
      %get3A_157 = tpu.vector_load %arg5[%get3A_156] {strides = array<i32>} : memref<2048xi32, #tpu.memory_space<vmem>>, vector<16xi32>,
      %mul3A_158 = arith.constant 16 : i32
      %mul3A_159 = arith.muli %add3A_153, %mul3A_158 : i32
      %get3A_160 = arith.index_cast %mul3A_159 : i32 to index
      %get3A_161 = tpu.vector_load %arg6[%get3A_160] {strides = array<i32>} : memref<2048xi32, #tpu.memory_space<vmem>>, vector<16xi32>,
      %mul3A_162 = arith.constant 2048 : i32
      %mul3A_163 = arith.muli %select_n3A, %mul3A_162 : i32
      %mul3A_164 = arith.constant 16 : i32
      %mul3A_165 = arith.muli %add3A_153, %mul3A_164 : i32
      %add3A_166 = arith.addi %mul3A_163, %mul3A_165 : i32
      %iota3A_167 = tpu.iota {dimensions = array<i32: 0>} : vector<16xi32>
      %add3A_168 = vector.broadcast %add3A_166 : i32 to vector<16xi32>
      %add3A_169 = arith.addi %add3A_168, %iota3A_167 : vector<16xi32>
      %ne3A_170 = arith.constant 0 : i32
      %ne3A_171 = vector.broadcast %ne3A_170 : i32 to vector<16xi32>
      %ne3A_172 = arith.cmpi ne, %get3A_161, %ne3A_171 : vector<16xi32>
      tpu.vector_store_idx %arg7[%get3A_157], %add3A_169 masked %ne3A_172 : memref<512xi32, #tpu.memory_space<vmem>>[vector<16xi32>], vector<16xi32>, vector<16xi1>
      %mul3A_173 = arith.constant 8 : i32
      %mul3A_174 = arith.muli %scan3A_58, %mul3A_173 : i32
      %add3A_175 = arith.constant 5 : i32
      %add3A_176 = arith.addi %mul3A_174, %add3A_175 : i32
      %mul3A_177 = arith.constant 16 : i32
      %mul3A_178 = arith.muli %add3A_176, %mul3A_177 : i32
      %get3A_179 = arith.index_cast %mul3A_178 : i32 to index
      %get3A_180 = tpu.vector_load %arg5[%get3A_179] {strides = array<i32>} : memref<2048xi32, #tpu.memory_space<vmem>>, vector<16xi32>,
      %mul3A_181 = arith.constant 16 : i32
      %mul3A_182 = arith.muli %add3A_176, %mul3A_181 : i32
      %get3A_183 = arith.index_cast %mul3A_182 : i32 to index
      %get3A_184 = tpu.vector_load %arg6[%get3A_183] {strides = array<i32>} : memref<2048xi32, #tpu.memory_space<vmem>>, vector<16xi32>,
      %mul3A_185 = arith.constant 2048 : i32
      %mul3A_186 = arith.muli %select_n3A, %mul3A_185 : i32
      %mul3A_187 = arith.constant 16 : i32
      %mul3A_188 = arith.muli %add3A_176, %mul3A_187 : i32
      %add3A_189 = arith.addi %mul3A_186, %mul3A_188 : i32
      %iota3A_190 = tpu.iota {dimensions = array<i32: 0>} : vector<16xi32>
      %add3A_191 = vector.broadcast %add3A_189 : i32 to vector<16xi32>
      %add3A_192 = arith.addi %add3A_191, %iota3A_190 : vector<16xi32>
      %ne3A_193 = arith.constant 0 : i32
      %ne3A_194 = vector.broadcast %ne3A_193 : i32 to vector<16xi32>
      %ne3A_195 = arith.cmpi ne, %get3A_184, %ne3A_194 : vector<16xi32>
      tpu.vector_store_idx %arg7[%get3A_180], %add3A_192 masked %ne3A_195 : memref<512xi32, #tpu.memory_space<vmem>>[vector<16xi32>], vector<16xi32>, vector<16xi1>
      %mul3A_196 = arith.constant 8 : i32
      %mul3A_197 = arith.muli %scan3A_58, %mul3A_196 : i32
      %add3A_198 = arith.constant 6 : i32
      %add3A_199 = arith.addi %mul3A_197, %add3A_198 : i32
      %mul3A_200 = arith.constant 16 : i32
      %mul3A_201 = arith.muli %add3A_199, %mul3A_200 : i32
      %get3A_202 = arith.index_cast %mul3A_201 : i32 to index
      %get3A_203 = tpu.vector_load %arg5[%get3A_202] {strides = array<i32>} : memref<2048xi32, #tpu.memory_space<vmem>>, vector<16xi32>,
      %mul3A_204 = arith.constant 16 : i32
      %mul3A_205 = arith.muli %add3A_199, %mul3A_204 : i32
      %get3A_206 = arith.index_cast %mul3A_205 : i32 to index
      %get3A_207 = tpu.vector_load %arg6[%get3A_206] {strides = array<i32>} : memref<2048xi32, #tpu.memory_space<vmem>>, vector<16xi32>,
      %mul3A_208 = arith.constant 2048 : i32
      %mul3A_209 = arith.muli %select_n3A, %mul3A_208 : i32
      %mul3A_210 = arith.constant 16 : i32
      %mul3A_211 = arith.muli %add3A_199, %mul3A_210 : i32
      %add3A_212 = arith.addi %mul3A_209, %mul3A_211 : i32
      %iota3A_213 = tpu.iota {dimensions = array<i32: 0>} : vector<16xi32>
      %add3A_214 = vector.broadcast %add3A_212 : i32 to vector<16xi32>
      %add3A_215 = arith.addi %add3A_214, %iota3A_213 : vector<16xi32>
      %ne3A_216 = arith.constant 0 : i32
      %ne3A_217 = vector.broadcast %ne3A_216 : i32 to vector<16xi32>
      %ne3A_218 = arith.cmpi ne, %get3A_207, %ne3A_217 : vector<16xi32>
      tpu.vector_store_idx %arg7[%get3A_203], %add3A_215 masked %ne3A_218 : memref<512xi32, #tpu.memory_space<vmem>>[vector<16xi32>], vector<16xi32>, vector<16xi1>
      %mul3A_219 = arith.constant 8 : i32
      %mul3A_220 = arith.muli %scan3A_58, %mul3A_219 : i32
      %add3A_221 = arith.constant 7 : i32
      %add3A_222 = arith.addi %mul3A_220, %add3A_221 : i32
      %mul3A_223 = arith.constant 16 : i32
      %mul3A_224 = arith.muli %add3A_222, %mul3A_223 : i32
      %get3A_225 = arith.index_cast %mul3A_224 : i32 to index
      %get3A_226 = tpu.vector_load %arg5[%get3A_225] {strides = array<i32>} : memref<2048xi32, #tpu.memory_space<vmem>>, vector<16xi32>,
      %mul3A_227 = arith.constant 16 : i32
      %mul3A_228 = arith.muli %add3A_222, %mul3A_227 : i32
      %get3A_229 = arith.index_cast %mul3A_228 : i32 to index
      %get3A_230 = tpu.vector_load %arg6[%get3A_229] {strides = array<i32>} : memref<2048xi32, #tpu.memory_space<vmem>>, vector<16xi32>,
      %mul3A_231 = arith.constant 2048 : i32
      %mul3A_232 = arith.muli %select_n3A, %mul3A_231 : i32
      %mul3A_233 = arith.constant 16 : i32
      %mul3A_234 = arith.muli %add3A_222, %mul3A_233 : i32
      %add3A_235 = arith.addi %mul3A_232, %mul3A_234 : i32
      %iota3A_236 = tpu.iota {dimensions = array<i32: 0>} : vector<16xi32>
      %add3A_237 = vector.broadcast %add3A_235 : i32 to vector<16xi32>
      %add3A_238 = arith.addi %add3A_237, %iota3A_236 : vector<16xi32>
      %ne3A_239 = arith.constant 0 : i32
      %ne3A_240 = vector.broadcast %ne3A_239 : i32 to vector<16xi32>
      %ne3A_241 = arith.cmpi ne, %get3A_230, %ne3A_240 : vector<16xi32>
      tpu.vector_store_idx %arg7[%get3A_226], %add3A_238 masked %ne3A_241 : memref<512xi32, #tpu.memory_space<vmem>>[vector<16xi32>], vector<16xi32>, vector<16xi1>
    }
    %scan3A_25 = arith.constant 16 : i32
    %mul3A_26 = arith.constant 32 : i32
    %mul3A_27 = arith.muli %sub3A_19, %mul3A_26 : i32
    %get3A = arith.index_cast %mul3A_27 : i32 to index
    %get3A_28 = tpu.vector_load %arg7[%get3A] {strides = array<i32>} : memref<512xi32, #tpu.memory_space<vmem>>, vector<16xi32>,
    %add3A_29 = arith.constant 16 : i32
    %add3A_30 = arith.addi %mul3A_27, %add3A_29 : i32
    %get3A_31 = arith.index_cast %add3A_30 : i32 to index
    %get3A_32 = tpu.vector_load %arg7[%get3A_31] {strides = array<i32>} : memref<512xi32, #tpu.memory_space<vmem>>, vector<16xi32>,
    %dma_start3A = arith.constant 0 : i32
    %dma_start3A_33 = arith.constant 0 : i32
    %dma_start3A_34 = tpu.memref_slice %arg8[%dma_start3A, %dma_start3A_33] : memref<32x768xf32, #tpu.memory_space<vmem>> -> memref<16x768xf32, #tpu.memory_space<vmem>>
    %dma_start3A_35 = arith.constant 0 : i32
    %dma_start3A_36 = arith.constant 0 : i32
    %dma_start3A_37 = tpu.memref_slice %arg3[%dma_start3A_35, %dma_start3A_36] : memref<4096x768xf32, #tpu.memory_space<hbm>> -> memref<4096x768xf32, #tpu.memory_space<hbm>>
    tpu.enqueue_indirect_dma source(%dma_start3A_37 : memref<4096x768xf32, #tpu.memory_space<hbm>>) target(%dma_start3A_34 : memref<16x768xf32, #tpu.memory_space<vmem>>) offsets(%get3A_28 : vector<16xi32>) semaphore(%arg9 : memref<!tpu.dma_semaphore, #tpu.memory_space<semaphore_mem>>)
    %dma_start3A_38 = arith.constant 16 : i32
    %dma_start3A_39 = arith.constant 0 : i32
    %dma_start3A_40 = tpu.memref_slice %arg8[%dma_start3A_38, %dma_start3A_39] : memref<32x768xf32, #tpu.memory_space<vmem>> -> memref<16x768xf32, #tpu.memory_space<vmem>>
    %dma_start3A_41 = arith.constant 0 : i32
    %dma_start3A_42 = arith.constant 0 : i32
    %dma_start3A_43 = tpu.memref_slice %arg3[%dma_start3A_41, %dma_start3A_42] : memref<4096x768xf32, #tpu.memory_space<hbm>> -> memref<4096x768xf32, #tpu.memory_space<hbm>>
    tpu.enqueue_indirect_dma source(%dma_start3A_43 : memref<4096x768xf32, #tpu.memory_space<hbm>>) target(%dma_start3A_40 : memref<16x768xf32, #tpu.memory_space<vmem>>) offsets(%get3A_32 : vector<16xi32>) semaphore(%arg9 : memref<!tpu.dma_semaphore, #tpu.memory_space<semaphore_mem>>)
    %dma_wait3A = arith.constant 0 : i32
    %dma_wait3A_44 = arith.constant 0 : i32
    %dma_wait3A_45 = tpu.memref_slice %arg8[%dma_wait3A, %dma_wait3A_44] : memref<32x768xf32, #tpu.memory_space<vmem>> -> memref<16x768xf32, #tpu.memory_space<vmem>>
    %dma_wait3A_46 = arith.constant 0 : i32
    %dma_wait3A_47 = arith.constant 0 : i32
    %dma_wait3A_48 = tpu.memref_slice %arg3[%dma_wait3A_46, %dma_wait3A_47] : memref<4096x768xf32, #tpu.memory_space<hbm>> -> memref<4096x768xf32, #tpu.memory_space<hbm>>
    tpu.wait_indirect_dma semaphore(%arg9 : memref<!tpu.dma_semaphore, #tpu.memory_space<semaphore_mem>>) src(%dma_wait3A_48 : memref<4096x768xf32, #tpu.memory_space<hbm>>) dst(%dma_wait3A_45 : memref<16x768xf32, #tpu.memory_space<vmem>>)
    %dma_wait3A_49 = arith.constant 16 : i32
    %dma_wait3A_50 = arith.constant 0 : i32
    %dma_wait3A_51 = tpu.memref_slice %arg8[%dma_wait3A_49, %dma_wait3A_50] : memref<32x768xf32, #tpu.memory_space<vmem>> -> memref<16x768xf32, #tpu.memory_space<vmem>>
    %dma_wait3A_52 = arith.constant 0 : i32
    %dma_wait3A_53 = arith.constant 0 : i32
    %dma_wait3A_54 = tpu.memref_slice %arg3[%dma_wait3A_52, %dma_wait3A_53] : memref<4096x768xf32, #tpu.memory_space<hbm>> -> memref<4096x768xf32, #tpu.memory_space<hbm>>
    tpu.wait_indirect_dma semaphore(%arg9 : memref<!tpu.dma_semaphore, #tpu.memory_space<semaphore_mem>>) src(%dma_wait3A_54 : memref<4096x768xf32, #tpu.memory_space<hbm>>) dst(%dma_wait3A_51 : memref<16x768xf32, #tpu.memory_space<vmem>>)
    %mul3A_55 = arith.constant 512 : i32
    %mul3A_56 = arith.muli %select_n3A, %mul3A_55 : i32
    %add3A_57 = arith.addi %mul3A_56, %mul3A_27 : i32
    "tpu.region"() ({
      %run_scoped3A_58 = tpu.sem_alloc : memref<!tpu.dma_semaphore, #tpu.memory_space<semaphore_mem>>
      %dma_start3A_59 = arith.constant 0 : i32
      %dma_start3A_60 = tpu.memref_slice %arg4[%add3A_57, %dma_start3A_59] : memref<1024x768xf32, #tpu.memory_space<hbm>> -> memref<32x768xf32, #tpu.memory_space<hbm>>
      %dma_start3A_61 = arith.constant 0 : i32
      %dma_start3A_62 = tpu.memref_slice %arg4[%add3A_57, %dma_start3A_61] : memref<1024x768xf32, #tpu.memory_space<hbm>> -> memref<32x768xf32, #tpu.memory_space<hbm>>
      tpu.enqueue_dma source(%arg8 : memref<32x768xf32, #tpu.memory_space<vmem>>) target(%dma_start3A_62 : memref<32x768xf32, #tpu.memory_space<hbm>>) target_semaphore(%run_scoped3A_58 : memref<!tpu.dma_semaphore, #tpu.memory_space<semaphore_mem>>)
      %dma_wait3A_63 = arith.constant 0 : i32
      %dma_wait3A_64 = tpu.memref_slice %arg4[%add3A_57, %dma_wait3A_63] : memref<1024x768xf32, #tpu.memory_space<hbm>> -> memref<32x768xf32, #tpu.memory_space<hbm>>
      %dma_wait3A_65 = arith.constant 0 : i32
      %dma_wait3A_66 = tpu.memref_slice %arg4[%add3A_57, %dma_wait3A_65] : memref<1024x768xf32, #tpu.memory_space<hbm>> -> memref<32x768xf32, #tpu.memory_space<hbm>>
      tpu.wait_dma2 semaphore(%run_scoped3A_58 : memref<!tpu.dma_semaphore, #tpu.memory_space<semaphore_mem>>) src(%arg8 : memref<32x768xf32, #tpu.memory_space<vmem>>) dst(%dma_wait3A_66 : memref<32x768xf32, #tpu.memory_space<hbm>>)
      tpu.yield
    }) : () -> ()
    return
  }
}

module attributes {stable_mosaic.version = 14 : i64} {
  func.func @_score_body(%arg0: i32, %arg1: i32, %arg2: memref<12x128x2048xf32, #tpu.memory_space<vmem>>, %arg3: memref<1x1x2048xf32, #tpu.memory_space<vmem>>, %arg4: memref<1x2x2048xi32, #tpu.memory_space<vmem>>, %arg5: memref<8x2048xf32, #tpu.memory_space<vmem>>, %arg6: memref<1x2048xf32, #tpu.memory_space<vmem>>) attributes {dimension_semantics = [#tpu.dimension_semantics<arbitrary>, #tpu.dimension_semantics<arbitrary>], iteration_bounds = array<i64: 2, 16>, scalar_prefetch = 0 : i64, scratch_operands = 2 : i64, tpu.core_type = #tpu.core_type<tc>, window_params = [{transform_indices = @transform_0, window_bounds = array<i64: 12, 128, 2048>}, {transform_indices = @transform_1, window_bounds = array<i64: 1, 1, 2048>}, {transform_indices = @transform_2, window_bounds = array<i64: 1, 2, 2048>}]} {
    %get3A = arith.constant 0 : index
    %get3A_0 = arith.constant 0 : index
    %get3A_1 = arith.constant 0 : index
    %get3A_2 = vector.load %arg2[%get3A, %get3A_0, %get3A_1] : memref<12x128x2048xf32, #tpu.memory_space<vmem>>, vector<1x128x2048xf32>
    %get3A_3 = vector.shape_cast %get3A_2 : vector<1x128x2048xf32> to vector<128x2048xf32>
    %get3A_4 = arith.constant 1 : index
    %get3A_5 = arith.constant 0 : index
    %get3A_6 = arith.constant 0 : index
    %get3A_7 = vector.load %arg2[%get3A_4, %get3A_5, %get3A_6] : memref<12x128x2048xf32, #tpu.memory_space<vmem>>, vector<1x128x2048xf32>
    %get3A_8 = vector.shape_cast %get3A_7 : vector<1x128x2048xf32> to vector<128x2048xf32>
    %add3A = arith.addf %get3A_3, %get3A_8 : vector<128x2048xf32>
    %get3A_9 = arith.constant 2 : index
    %get3A_10 = arith.constant 0 : index
    %get3A_11 = arith.constant 0 : index
    %get3A_12 = vector.load %arg2[%get3A_9, %get3A_10, %get3A_11] : memref<12x128x2048xf32, #tpu.memory_space<vmem>>, vector<1x128x2048xf32>
    %get3A_13 = vector.shape_cast %get3A_12 : vector<1x128x2048xf32> to vector<128x2048xf32>
    %add3A_14 = arith.addf %add3A, %get3A_13 : vector<128x2048xf32>
    %get3A_15 = arith.constant 3 : index
    %get3A_16 = arith.constant 0 : index
    %get3A_17 = arith.constant 0 : index
    %get3A_18 = vector.load %arg2[%get3A_15, %get3A_16, %get3A_17] : memref<12x128x2048xf32, #tpu.memory_space<vmem>>, vector<1x128x2048xf32>
    %get3A_19 = vector.shape_cast %get3A_18 : vector<1x128x2048xf32> to vector<128x2048xf32>
    %add3A_20 = arith.addf %add3A_14, %get3A_19 : vector<128x2048xf32>
    %get3A_21 = arith.constant 4 : index
    %get3A_22 = arith.constant 0 : index
    %get3A_23 = arith.constant 0 : index
    %get3A_24 = vector.load %arg2[%get3A_21, %get3A_22, %get3A_23] : memref<12x128x2048xf32, #tpu.memory_space<vmem>>, vector<1x128x2048xf32>
    %get3A_25 = vector.shape_cast %get3A_24 : vector<1x128x2048xf32> to vector<128x2048xf32>
    %add3A_26 = arith.addf %add3A_20, %get3A_25 : vector<128x2048xf32>
    %get3A_27 = arith.constant 5 : index
    %get3A_28 = arith.constant 0 : index
    %get3A_29 = arith.constant 0 : index
    %get3A_30 = vector.load %arg2[%get3A_27, %get3A_28, %get3A_29] : memref<12x128x2048xf32, #tpu.memory_space<vmem>>, vector<1x128x2048xf32>
    %get3A_31 = vector.shape_cast %get3A_30 : vector<1x128x2048xf32> to vector<128x2048xf32>
    %add3A_32 = arith.addf %add3A_26, %get3A_31 : vector<128x2048xf32>
    %get3A_33 = arith.constant 6 : index
    %get3A_34 = arith.constant 0 : index
    %get3A_35 = arith.constant 0 : index
    %get3A_36 = vector.load %arg2[%get3A_33, %get3A_34, %get3A_35] : memref<12x128x2048xf32, #tpu.memory_space<vmem>>, vector<1x128x2048xf32>
    %get3A_37 = vector.shape_cast %get3A_36 : vector<1x128x2048xf32> to vector<128x2048xf32>
    %add3A_38 = arith.addf %add3A_32, %get3A_37 : vector<128x2048xf32>
    %get3A_39 = arith.constant 7 : index
    %get3A_40 = arith.constant 0 : index
    %get3A_41 = arith.constant 0 : index
    %get3A_42 = vector.load %arg2[%get3A_39, %get3A_40, %get3A_41] : memref<12x128x2048xf32, #tpu.memory_space<vmem>>, vector<1x128x2048xf32>
    %get3A_43 = vector.shape_cast %get3A_42 : vector<1x128x2048xf32> to vector<128x2048xf32>
    %add3A_44 = arith.addf %add3A_38, %get3A_43 : vector<128x2048xf32>
    %get3A_45 = arith.constant 8 : index
    %get3A_46 = arith.constant 0 : index
    %get3A_47 = arith.constant 0 : index
    %get3A_48 = vector.load %arg2[%get3A_45, %get3A_46, %get3A_47] : memref<12x128x2048xf32, #tpu.memory_space<vmem>>, vector<1x128x2048xf32>
    %get3A_49 = vector.shape_cast %get3A_48 : vector<1x128x2048xf32> to vector<128x2048xf32>
    %add3A_50 = arith.addf %add3A_44, %get3A_49 : vector<128x2048xf32>
    %get3A_51 = arith.constant 9 : index
    %get3A_52 = arith.constant 0 : index
    %get3A_53 = arith.constant 0 : index
    %get3A_54 = vector.load %arg2[%get3A_51, %get3A_52, %get3A_53] : memref<12x128x2048xf32, #tpu.memory_space<vmem>>, vector<1x128x2048xf32>
    %get3A_55 = vector.shape_cast %get3A_54 : vector<1x128x2048xf32> to vector<128x2048xf32>
    %add3A_56 = arith.addf %add3A_50, %get3A_55 : vector<128x2048xf32>
    %get3A_57 = arith.constant 10 : index
    %get3A_58 = arith.constant 0 : index
    %get3A_59 = arith.constant 0 : index
    %get3A_60 = vector.load %arg2[%get3A_57, %get3A_58, %get3A_59] : memref<12x128x2048xf32, #tpu.memory_space<vmem>>, vector<1x128x2048xf32>
    %get3A_61 = vector.shape_cast %get3A_60 : vector<1x128x2048xf32> to vector<128x2048xf32>
    %add3A_62 = arith.addf %add3A_56, %get3A_61 : vector<128x2048xf32>
    %get3A_63 = arith.constant 11 : index
    %get3A_64 = arith.constant 0 : index
    %get3A_65 = arith.constant 0 : index
    %get3A_66 = vector.load %arg2[%get3A_63, %get3A_64, %get3A_65] : memref<12x128x2048xf32, #tpu.memory_space<vmem>>, vector<1x128x2048xf32>
    %get3A_67 = vector.shape_cast %get3A_66 : vector<1x128x2048xf32> to vector<128x2048xf32>
    %add3A_68 = arith.addf %add3A_62, %get3A_67 : vector<128x2048xf32>
    %div3A = arith.constant 1.200000e+01 : f32
    %div3A_69 = vector.broadcast %div3A : f32 to vector<128x2048xf32>
    %div3A_70 = arith.divf %add3A_68, %div3A_69 : vector<128x2048xf32>
    %eq3A = arith.constant 0 : i32
    %eq3A_71 = arith.cmpi eq, %arg1, %eq3A : i32
    %convert_element_type3A = arith.extui %eq3A_71 : i1 to i32
    %cond3A = arith.constant 0 : i32
    %cond3A_72 = arith.cmpi ne, %convert_element_type3A, %cond3A : i32
    scf.if %cond3A_72 {
      %broadcast_in_dim3A_217 = arith.constant 0.000000e+00 : f32
      %broadcast_in_dim3A_218 = vector.broadcast %broadcast_in_dim3A_217 : f32 to vector<8x2048xf32>
      %swap3A_219 = arith.constant 0 : index
      %swap3A_220 = arith.constant 0 : index
      %swap3A_221 = vector.load %arg5[%swap3A_219, %swap3A_220] : memref<8x2048xf32, #tpu.memory_space<vmem>>, vector<8x2048xf32>
      tpu.vector_store %arg5[%swap3A_219, %swap3A_220], %broadcast_in_dim3A_218 {strides = array<i32>} : memref<8x2048xf32, #tpu.memory_space<vmem>>, vector<8x2048xf32>,
      %broadcast_in_dim3A_222 = arith.constant 0.000000e+00 : f32
      %broadcast_in_dim3A_223 = vector.broadcast %broadcast_in_dim3A_222 : f32 to vector<1x2048xf32>
      %swap3A_224 = arith.constant 0 : index
      %swap3A_225 = arith.constant 0 : index
      %swap3A_226 = vector.load %arg6[%swap3A_224, %swap3A_225] : memref<1x2048xf32, #tpu.memory_space<vmem>>, vector<1x2048xf32>
      tpu.vector_store %arg6[%swap3A_224, %swap3A_225], %broadcast_in_dim3A_223 {strides = array<i32>} : memref<1x2048xf32, #tpu.memory_space<vmem>>, vector<1x2048xf32>,
    } else {
    }
    %get3A_73 = arith.constant 0 : index
    %get3A_74 = arith.constant 0 : index
    %get3A_75 = vector.load %arg5[%get3A_73, %get3A_74] : memref<8x2048xf32, #tpu.memory_space<vmem>>, vector<8x2048xf32>
    %slice3A = vector.extract_strided_slice %div3A_70 {offsets = [0, 0], sizes = [8, 2048], strides = [1, 1]} : vector<128x2048xf32> to vector<8x2048xf32>
    %add3A_76 = arith.addf %get3A_75, %slice3A : vector<8x2048xf32>
    %slice3A_77 = vector.extract_strided_slice %div3A_70 {offsets = [8, 0], sizes = [8, 2048], strides = [1, 1]} : vector<128x2048xf32> to vector<8x2048xf32>
    %add3A_78 = arith.addf %add3A_76, %slice3A_77 : vector<8x2048xf32>
    %slice3A_79 = vector.extract_strided_slice %div3A_70 {offsets = [16, 0], sizes = [8, 2048], strides = [1, 1]} : vector<128x2048xf32> to vector<8x2048xf32>
    %add3A_80 = arith.addf %add3A_78, %slice3A_79 : vector<8x2048xf32>
    %slice3A_81 = vector.extract_strided_slice %div3A_70 {offsets = [24, 0], sizes = [8, 2048], strides = [1, 1]} : vector<128x2048xf32> to vector<8x2048xf32>
    %add3A_82 = arith.addf %add3A_80, %slice3A_81 : vector<8x2048xf32>
    %slice3A_83 = vector.extract_strided_slice %div3A_70 {offsets = [32, 0], sizes = [8, 2048], strides = [1, 1]} : vector<128x2048xf32> to vector<8x2048xf32>
    %add3A_84 = arith.addf %add3A_82, %slice3A_83 : vector<8x2048xf32>
    %slice3A_85 = vector.extract_strided_slice %div3A_70 {offsets = [40, 0], sizes = [8, 2048], strides = [1, 1]} : vector<128x2048xf32> to vector<8x2048xf32>
    %add3A_86 = arith.addf %add3A_84, %slice3A_85 : vector<8x2048xf32>
    %slice3A_87 = vector.extract_strided_slice %div3A_70 {offsets = [48, 0], sizes = [8, 2048], strides = [1, 1]} : vector<128x2048xf32> to vector<8x2048xf32>
    %add3A_88 = arith.addf %add3A_86, %slice3A_87 : vector<8x2048xf32>
    %slice3A_89 = vector.extract_strided_slice %div3A_70 {offsets = [56, 0], sizes = [8, 2048], strides = [1, 1]} : vector<128x2048xf32> to vector<8x2048xf32>
    %add3A_90 = arith.addf %add3A_88, %slice3A_89 : vector<8x2048xf32>
    %slice3A_91 = vector.extract_strided_slice %div3A_70 {offsets = [64, 0], sizes = [8, 2048], strides = [1, 1]} : vector<128x2048xf32> to vector<8x2048xf32>
    %add3A_92 = arith.addf %add3A_90, %slice3A_91 : vector<8x2048xf32>
    %slice3A_93 = vector.extract_strided_slice %div3A_70 {offsets = [72, 0], sizes = [8, 2048], strides = [1, 1]} : vector<128x2048xf32> to vector<8x2048xf32>
    %add3A_94 = arith.addf %add3A_92, %slice3A_93 : vector<8x2048xf32>
    %slice3A_95 = vector.extract_strided_slice %div3A_70 {offsets = [80, 0], sizes = [8, 2048], strides = [1, 1]} : vector<128x2048xf32> to vector<8x2048xf32>
    %add3A_96 = arith.addf %add3A_94, %slice3A_95 : vector<8x2048xf32>
    %slice3A_97 = vector.extract_strided_slice %div3A_70 {offsets = [88, 0], sizes = [8, 2048], strides = [1, 1]} : vector<128x2048xf32> to vector<8x2048xf32>
    %add3A_98 = arith.addf %add3A_96, %slice3A_97 : vector<8x2048xf32>
    %slice3A_99 = vector.extract_strided_slice %div3A_70 {offsets = [96, 0], sizes = [8, 2048], strides = [1, 1]} : vector<128x2048xf32> to vector<8x2048xf32>
    %add3A_100 = arith.addf %add3A_98, %slice3A_99 : vector<8x2048xf32>
    %slice3A_101 = vector.extract_strided_slice %div3A_70 {offsets = [104, 0], sizes = [8, 2048], strides = [1, 1]} : vector<128x2048xf32> to vector<8x2048xf32>
    %add3A_102 = arith.addf %add3A_100, %slice3A_101 : vector<8x2048xf32>
    %slice3A_103 = vector.extract_strided_slice %div3A_70 {offsets = [112, 0], sizes = [8, 2048], strides = [1, 1]} : vector<128x2048xf32> to vector<8x2048xf32>
    %add3A_104 = arith.addf %add3A_102, %slice3A_103 : vector<8x2048xf32>
    %slice3A_105 = vector.extract_strided_slice %div3A_70 {offsets = [120, 0], sizes = [8, 2048], strides = [1, 1]} : vector<128x2048xf32> to vector<8x2048xf32>
    %add3A_106 = arith.addf %add3A_104, %slice3A_105 : vector<8x2048xf32>
    %swap3A = arith.constant 0 : index
    %swap3A_107 = arith.constant 0 : index
    %swap3A_108 = vector.load %arg5[%swap3A, %swap3A_107] : memref<8x2048xf32, #tpu.memory_space<vmem>>, vector<8x2048xf32>
    tpu.vector_store %arg5[%swap3A, %swap3A_107], %add3A_106 {strides = array<i32>} : memref<8x2048xf32, #tpu.memory_space<vmem>>, vector<8x2048xf32>,
    %mul3A = arith.constant 128 : i32
    %mul3A_109 = arith.muli %arg1, %mul3A : i32
    %get3A_110 = arith.constant 0 : index
    %get3A_111 = arith.constant 0 : index
    %get3A_112 = arith.index_cast %mul3A_109 : i32 to index
    %get3A_113 = vector.load %arg2[%get3A_110, %get3A_111, %get3A_112] : memref<12x128x2048xf32, #tpu.memory_space<vmem>>, vector<1x128x128xf32>
    %get3A_114 = vector.shape_cast %get3A_113 : vector<1x128x128xf32> to vector<128x128xf32>
    %mul3A_115 = arith.constant 128 : i32
    %mul3A_116 = arith.muli %arg1, %mul3A_115 : i32
    %get3A_117 = arith.constant 1 : index
    %get3A_118 = arith.constant 0 : index
    %get3A_119 = arith.index_cast %mul3A_116 : i32 to index
    %get3A_120 = vector.load %arg2[%get3A_117, %get3A_118, %get3A_119] : memref<12x128x2048xf32, #tpu.memory_space<vmem>>, vector<1x128x128xf32>
    %get3A_121 = vector.shape_cast %get3A_120 : vector<1x128x128xf32> to vector<128x128xf32>
    %add3A_122 = arith.addf %get3A_114, %get3A_121 : vector<128x128xf32>
    %mul3A_123 = arith.constant 128 : i32
    %mul3A_124 = arith.muli %arg1, %mul3A_123 : i32
    %get3A_125 = arith.constant 2 : index
    %get3A_126 = arith.constant 0 : index
    %get3A_127 = arith.index_cast %mul3A_124 : i32 to index
    %get3A_128 = vector.load %arg2[%get3A_125, %get3A_126, %get3A_127] : memref<12x128x2048xf32, #tpu.memory_space<vmem>>, vector<1x128x128xf32>
    %get3A_129 = vector.shape_cast %get3A_128 : vector<1x128x128xf32> to vector<128x128xf32>
    %add3A_130 = arith.addf %add3A_122, %get3A_129 : vector<128x128xf32>
    %mul3A_131 = arith.constant 128 : i32
    %mul3A_132 = arith.muli %arg1, %mul3A_131 : i32
    %get3A_133 = arith.constant 3 : index
    %get3A_134 = arith.constant 0 : index
    %get3A_135 = arith.index_cast %mul3A_132 : i32 to index
    %get3A_136 = vector.load %arg2[%get3A_133, %get3A_134, %get3A_135] : memref<12x128x2048xf32, #tpu.memory_space<vmem>>, vector<1x128x128xf32>
    %get3A_137 = vector.shape_cast %get3A_136 : vector<1x128x128xf32> to vector<128x128xf32>
    %add3A_138 = arith.addf %add3A_130, %get3A_137 : vector<128x128xf32>
    %mul3A_139 = arith.constant 128 : i32
    %mul3A_140 = arith.muli %arg1, %mul3A_139 : i32
    %get3A_141 = arith.constant 4 : index
    %get3A_142 = arith.constant 0 : index
    %get3A_143 = arith.index_cast %mul3A_140 : i32 to index
    %get3A_144 = vector.load %arg2[%get3A_141, %get3A_142, %get3A_143] : memref<12x128x2048xf32, #tpu.memory_space<vmem>>, vector<1x128x128xf32>
    %get3A_145 = vector.shape_cast %get3A_144 : vector<1x128x128xf32> to vector<128x128xf32>
    %add3A_146 = arith.addf %add3A_138, %get3A_145 : vector<128x128xf32>
    %mul3A_147 = arith.constant 128 : i32
    %mul3A_148 = arith.muli %arg1, %mul3A_147 : i32
    %get3A_149 = arith.constant 5 : index
    %get3A_150 = arith.constant 0 : index
    %get3A_151 = arith.index_cast %mul3A_148 : i32 to index
    %get3A_152 = vector.load %arg2[%get3A_149, %get3A_150, %get3A_151] : memref<12x128x2048xf32, #tpu.memory_space<vmem>>, vector<1x128x128xf32>
    %get3A_153 = vector.shape_cast %get3A_152 : vector<1x128x128xf32> to vector<128x128xf32>
    %add3A_154 = arith.addf %add3A_146, %get3A_153 : vector<128x128xf32>
    %mul3A_155 = arith.constant 128 : i32
    %mul3A_156 = arith.muli %arg1, %mul3A_155 : i32
    %get3A_157 = arith.constant 6 : index
    %get3A_158 = arith.constant 0 : index
    %get3A_159 = arith.index_cast %mul3A_156 : i32 to index
    %get3A_160 = vector.load %arg2[%get3A_157, %get3A_158, %get3A_159] : memref<12x128x2048xf32, #tpu.memory_space<vmem>>, vector<1x128x128xf32>
    %get3A_161 = vector.shape_cast %get3A_160 : vector<1x128x128xf32> to vector<128x128xf32>
    %add3A_162 = arith.addf %add3A_154, %get3A_161 : vector<128x128xf32>
    %mul3A_163 = arith.constant 128 : i32
    %mul3A_164 = arith.muli %arg1, %mul3A_163 : i32
    %get3A_165 = arith.constant 7 : index
    %get3A_166 = arith.constant 0 : index
    %get3A_167 = arith.index_cast %mul3A_164 : i32 to index
    %get3A_168 = vector.load %arg2[%get3A_165, %get3A_166, %get3A_167] : memref<12x128x2048xf32, #tpu.memory_space<vmem>>, vector<1x128x128xf32>
    %get3A_169 = vector.shape_cast %get3A_168 : vector<1x128x128xf32> to vector<128x128xf32>
    %add3A_170 = arith.addf %add3A_162, %get3A_169 : vector<128x128xf32>
    %mul3A_171 = arith.constant 128 : i32
    %mul3A_172 = arith.muli %arg1, %mul3A_171 : i32
    %get3A_173 = arith.constant 8 : index
    %get3A_174 = arith.constant 0 : index
    %get3A_175 = arith.index_cast %mul3A_172 : i32 to index
    %get3A_176 = vector.load %arg2[%get3A_173, %get3A_174, %get3A_175] : memref<12x128x2048xf32, #tpu.memory_space<vmem>>, vector<1x128x128xf32>
    %get3A_177 = vector.shape_cast %get3A_176 : vector<1x128x128xf32> to vector<128x128xf32>
    %add3A_178 = arith.addf %add3A_170, %get3A_177 : vector<128x128xf32>
    %mul3A_179 = arith.constant 128 : i32
    %mul3A_180 = arith.muli %arg1, %mul3A_179 : i32
    %get3A_181 = arith.constant 9 : index
    %get3A_182 = arith.constant 0 : index
    %get3A_183 = arith.index_cast %mul3A_180 : i32 to index
    %get3A_184 = vector.load %arg2[%get3A_181, %get3A_182, %get3A_183] : memref<12x128x2048xf32, #tpu.memory_space<vmem>>, vector<1x128x128xf32>
    %get3A_185 = vector.shape_cast %get3A_184 : vector<1x128x128xf32> to vector<128x128xf32>
    %add3A_186 = arith.addf %add3A_178, %get3A_185 : vector<128x128xf32>
    %mul3A_187 = arith.constant 128 : i32
    %mul3A_188 = arith.muli %arg1, %mul3A_187 : i32
    %get3A_189 = arith.constant 10 : index
    %get3A_190 = arith.constant 0 : index
    %get3A_191 = arith.index_cast %mul3A_188 : i32 to index
    %get3A_192 = vector.load %arg2[%get3A_189, %get3A_190, %get3A_191] : memref<12x128x2048xf32, #tpu.memory_space<vmem>>, vector<1x128x128xf32>
    %get3A_193 = vector.shape_cast %get3A_192 : vector<1x128x128xf32> to vector<128x128xf32>
    %add3A_194 = arith.addf %add3A_186, %get3A_193 : vector<128x128xf32>
    %mul3A_195 = arith.constant 128 : i32
    %mul3A_196 = arith.muli %arg1, %mul3A_195 : i32
    %get3A_197 = arith.constant 11 : index
    %get3A_198 = arith.constant 0 : index
    %get3A_199 = arith.index_cast %mul3A_196 : i32 to index
    %get3A_200 = vector.load %arg2[%get3A_197, %get3A_198, %get3A_199] : memref<12x128x2048xf32, #tpu.memory_space<vmem>>, vector<1x128x128xf32>
    %get3A_201 = vector.shape_cast %get3A_200 : vector<1x128x128xf32> to vector<128x128xf32>
    %add3A_202 = arith.addf %add3A_194, %get3A_201 : vector<128x128xf32>
    %iota3A = tpu.iota {dimensions = array<i32: 0>} : vector<128x128xi32>
    %iota3A_203 = tpu.iota {dimensions = array<i32: 1>} : vector<128x128xi32>
    %eq3A_204 = arith.cmpi eq, %iota3A, %iota3A_203 : vector<128x128xi32>
    %jit3A = arith.constant 0.000000e+00 : f32
    %broadcast_in_dim3A = vector.broadcast %jit3A : f32 to vector<128x128xf32>
    %select_n3A = arith.select %eq3A_204, %add3A_202, %broadcast_in_dim3A : vector<128x128xi1>, vector<128x128xf32>
    %reduce_sum3A = arith.constant dense<0.000000e+00> : vector<128xf32>
    %reduce_sum3A_205 = vector.multi_reduction <add>, %select_n3A, %reduce_sum3A [0] : vector<128x128xf32> to vector<128xf32>
    %broadcast_in_dim3A_206 = vector.shape_cast %reduce_sum3A_205 : vector<128xf32> to vector<1x128xf32>
    %mul3A_207 = arith.constant 128 : i32
    %mul3A_208 = arith.muli %arg1, %mul3A_207 : i32
    %swap3A_209 = arith.constant 0 : index
    %swap3A_210 = arith.index_cast %mul3A_208 : i32 to index
    %swap3A_211 = vector.load %arg6[%swap3A_209, %swap3A_210] : memref<1x2048xf32, #tpu.memory_space<vmem>>, vector<1x128xf32>
    tpu.vector_store %arg6[%swap3A_209, %swap3A_210], %broadcast_in_dim3A_206 {strides = array<i32>} : memref<1x2048xf32, #tpu.memory_space<vmem>>, vector<1x128xf32>,
    %eq3A_212 = arith.constant 15 : i32
    %eq3A_213 = arith.cmpi eq, %arg1, %eq3A_212 : i32
    %convert_element_type3A_214 = arith.extui %eq3A_213 : i1 to i32
    %cond3A_215 = arith.constant 0 : i32
    %cond3A_216 = arith.cmpi ne, %convert_element_type3A_214, %cond3A_215 : i32
    scf.if %cond3A_216 {
      %get3A_217 = arith.constant 0 : index
      %get3A_218 = arith.constant 0 : index
      %get3A_219 = vector.load %arg5[%get3A_217, %get3A_218] : memref<8x2048xf32, #tpu.memory_space<vmem>>, vector<4x2048xf32>
      %get3A_220 = arith.constant 4 : index
      %get3A_221 = arith.constant 0 : index
      %get3A_222 = vector.load %arg5[%get3A_220, %get3A_221] : memref<8x2048xf32, #tpu.memory_space<vmem>>, vector<4x2048xf32>
      %add3A_223 = arith.addf %get3A_219, %get3A_222 : vector<4x2048xf32>
      %slice3A_224 = vector.extract_strided_slice %add3A_223 {offsets = [0, 0], sizes = [2, 2048], strides = [1, 1]} : vector<4x2048xf32> to vector<2x2048xf32>
      %slice3A_225 = vector.extract_strided_slice %add3A_223 {offsets = [2, 0], sizes = [2, 2048], strides = [1, 1]} : vector<4x2048xf32> to vector<2x2048xf32>
      %add3A_226 = arith.addf %slice3A_224, %slice3A_225 : vector<2x2048xf32>
      %slice3A_227 = vector.extract_strided_slice %add3A_226 {offsets = [0, 0], sizes = [1, 2048], strides = [1, 1]} : vector<2x2048xf32> to vector<1x2048xf32>
      %slice3A_228 = vector.extract_strided_slice %add3A_226 {offsets = [1, 0], sizes = [1, 2048], strides = [1, 1]} : vector<2x2048xf32> to vector<1x2048xf32>
      %add3A_229 = arith.addf %slice3A_227, %slice3A_228 : vector<1x2048xf32>
      %get3A_230 = arith.constant 0 : index
      %get3A_231 = arith.constant 0 : index
      %get3A_232 = vector.load %arg6[%get3A_230, %get3A_231] : memref<1x2048xf32, #tpu.memory_space<vmem>>, vector<1x2048xf32>
      %div3A_233 = arith.constant 1.200000e+01 : f32
      %div3A_234 = vector.broadcast %div3A_233 : f32 to vector<1x2048xf32>
      %div3A_235 = arith.divf %get3A_232, %div3A_234 : vector<1x2048xf32>
      %sub3A = arith.subf %add3A_229, %div3A_235 : vector<1x2048xf32>
      %iota3A_236 = tpu.iota {dimensions = array<i32: 1>} : vector<1x2048xi32>
      %eq3A_237 = arith.constant 0 : i32
      %eq3A_238 = vector.broadcast %eq3A_237 : i32 to vector<1x2048xi32>
      %eq3A_239 = arith.cmpi eq, %iota3A_236, %eq3A_238 : vector<1x2048xi32>
      %jit3A_240 = arith.constant 8.50705917E+37 : f32
      %broadcast_in_dim3A_241 = vector.broadcast %jit3A_240 : f32 to vector<1x2048xf32>
      %select_n3A_242 = arith.select %eq3A_239, %broadcast_in_dim3A_241, %sub3A : vector<1x2048xi1>, vector<1x2048xf32>
      %bitcast_convert_type3A = tpu.bitcast %select_n3A_242 : vector<1x2048xf32> -> vector<1x2048xi32>
      %reshape3A = vector.shape_cast %bitcast_convert_type3A : vector<1x2048xi32> to vector<16x128xi32>
      %while3A = arith.constant 0 : i32
      %while3A_243 = arith.constant 2130706432 : i32
      %while3A_244:2 = scf.while (%while3A_325 = %while3A, %while3A_326 = %while3A_243) : (i32, i32) -> (i32, i32) {
        %lt3A_327 = arith.cmpi slt, %while3A_325, %while3A_326 : i32
        scf.condition(%lt3A_327) %while3A_325, %while3A_326 : i32, i32
      } do {
      ^bb0(%while3A_325: i32, %while3A_326: i32):
        %sub3A_327 = arith.subi %while3A_326, %while3A_325 : i32
        %add3A_328 = arith.constant 1 : i32
        %add3A_329 = arith.addi %sub3A_327, %add3A_328 : i32
        %jit3A_330 = arith.constant 2 : i32
        %div3A_331 = arith.divsi %add3A_329, %jit3A_330 : i32
        %sign3A = arith.constant 0 : i32
        %sign3A_332 = arith.cmpi sgt, %add3A_329, %sign3A : i32
        %sign3A_333 = arith.extui %sign3A_332 : i1 to i32
        %sign3A_334 = arith.constant 0 : i32
        %sign3A_335 = arith.cmpi slt, %add3A_329, %sign3A_334 : i32
        %sign3A_336 = arith.extui %sign3A_335 : i1 to i32
        %sign3A_337 = arith.subi %sign3A_333, %sign3A_336 : i32
        %sign3A_338 = arith.constant 0 : i32
        %sign3A_339 = arith.cmpi sgt, %jit3A_330, %sign3A_338 : i32
        %sign3A_340 = arith.extui %sign3A_339 : i1 to i32
        %sign3A_341 = arith.constant 0 : i32
        %sign3A_342 = arith.cmpi slt, %jit3A_330, %sign3A_341 : i32
        %sign3A_343 = arith.extui %sign3A_342 : i1 to i32
        %sign3A_344 = arith.subi %sign3A_340, %sign3A_343 : i32
        %ne3A = arith.cmpi ne, %sign3A_337, %sign3A_344 : i32
        %rem3A = arith.remsi %add3A_329, %jit3A_330 : i32
        %ne3A_345 = arith.constant 0 : i32
        %ne3A_346 = arith.cmpi ne, %rem3A, %ne3A_345 : i32
        %and3A_347 = arith.andi %ne3A, %ne3A_346 : i1
        %sub3A_348 = arith.constant 1 : i32
        %sub3A_349 = arith.subi %div3A_331, %sub3A_348 : i32
        %select_n3A_350 = arith.select %and3A_347, %sub3A_349, %div3A_331 : i32
        %add3A_351 = arith.addi %while3A_325, %select_n3A_350 : i32
        %ge3A = vector.broadcast %add3A_351 : i32 to vector<16x128xi32>
        %ge3A_352 = arith.cmpi sge, %reshape3A, %ge3A : vector<16x128xi32>
        %convert_element_type3A_353 = arith.extui %ge3A_352 : vector<16x128xi1> to vector<16x128xi32>
        %reduce_sum3A_354 = vector.shape_cast %convert_element_type3A_353 : vector<16x128xi32> to vector<1x16x128xi32>
        %reduce_sum3A_355 = arith.constant dense<0> : vector<1xi32>
        %reduce_sum3A_356 = vector.multi_reduction <add>, %reduce_sum3A_354, %reduce_sum3A_355 [1, 2] : vector<1x16x128xi32> to vector<1xi32>
        %reduce_sum3A_357 = vector.shape_cast %reduce_sum3A_356 : vector<1xi32> to vector<1x1x1xi32>
        %reduce_sum3A_358 = vector.extract %reduce_sum3A_357[0, 0, 0] : i32 from vector<1x1x1xi32>
        %ge3A_359 = arith.constant 512 : i32
        %ge3A_360 = arith.cmpi sge, %reduce_sum3A_358, %ge3A_359 : i32
        %select_n3A_361 = arith.select %ge3A_360, %add3A_351, %while3A_325 : i32
        %sub3A_362 = arith.constant 1 : i32
        %sub3A_363 = arith.subi %add3A_351, %sub3A_362 : i32
        %select_n3A_364 = arith.select %ge3A_360, %while3A_326, %sub3A_363 : i32
        scf.yield %select_n3A_361, %select_n3A_364 : i32, i32
      }
      %gt3A = vector.broadcast %while3A_244#0 : i32 to vector<1x2048xi32>
      %gt3A_245 = arith.cmpi sgt, %bitcast_convert_type3A, %gt3A : vector<1x2048xi32>
      %eq3A_246 = vector.broadcast %while3A_244#0 : i32 to vector<1x2048xi32>
      %eq3A_247 = arith.cmpi eq, %bitcast_convert_type3A, %eq3A_246 : vector<1x2048xi32>
      %convert_element_type3A_248 = arith.extui %gt3A_245 : vector<1x2048xi1> to vector<1x2048xi32>
      %reduce_sum3A_249 = vector.shape_cast %convert_element_type3A_248 : vector<1x2048xi32> to vector<1x1x2048xi32>
      %reduce_sum3A_250 = arith.constant dense<0> : vector<1xi32>
      %reduce_sum3A_251 = vector.multi_reduction <add>, %reduce_sum3A_249, %reduce_sum3A_250 [1, 2] : vector<1x1x2048xi32> to vector<1xi32>
      %reduce_sum3A_252 = vector.shape_cast %reduce_sum3A_251 : vector<1xi32> to vector<1x1x1xi32>
      %reduce_sum3A_253 = vector.extract %reduce_sum3A_252[0, 0, 0] : i32 from vector<1x1x1xi32>
      %convert_element_type3A_254 = arith.extui %eq3A_247 : vector<1x2048xi1> to vector<1x2048xi32>
      %convert_element_type3A_255 = arith.sitofp %convert_element_type3A_254 : vector<1x2048xi32> to vector<1x2048xf32>
      %reshape3A_256 = vector.shape_cast %convert_element_type3A_255 : vector<1x2048xf32> to vector<16x128xf32>
      %iota3A_257 = tpu.iota {dimensions = array<i32: 0>} : vector<128x128xi32>
      %iota3A_258 = tpu.iota {dimensions = array<i32: 1>} : vector<128x128xi32>
      %le3A = arith.cmpi sle, %iota3A_257, %iota3A_258 : vector<128x128xi32>
      %convert_element_type3A_259 = arith.extui %le3A : vector<128x128xi1> to vector<128x128xi32>
      %convert_element_type3A_260 = arith.sitofp %convert_element_type3A_259 : vector<128x128xi32> to vector<128x128xf32>
      %dot_general3A = arith.constant dense<0.000000e+00> : vector<16x128xf32>
      %dot_general3A_261 = tpu.matmul %reshape3A_256, %convert_element_type3A_260, %dot_general3A {dimension_numbers = #tpu.dot_dimension_numbers<[1], [0], [0], [1], [0, 0, 1, 1], [], []>, transpose_lhs_hint = false} : vector<16x128xf32>, vector<128x128xf32>, vector<16x128xf32> -> vector<16x128xf32>
      %reduce_sum3A_262 = arith.constant dense<0.000000e+00> : vector<16xf32>
      %reduce_sum3A_263 = vector.multi_reduction <add>, %reshape3A_256, %reduce_sum3A_262 [1] : vector<16x128xf32> to vector<16xf32>
      %broadcast_in_dim3A_264 = vector.shape_cast %reduce_sum3A_263 : vector<16xf32> to vector<16x1xf32>
      %iota3A_265 = tpu.iota {dimensions = array<i32: 0>} : vector<16x16xi32>
      %iota3A_266 = tpu.iota {dimensions = array<i32: 1>} : vector<16x16xi32>
      %lt3A = arith.cmpi slt, %iota3A_266, %iota3A_265 : vector<16x16xi32>
      %convert_element_type3A_267 = arith.extui %lt3A : vector<16x16xi1> to vector<16x16xi32>
      %convert_element_type3A_268 = arith.sitofp %convert_element_type3A_267 : vector<16x16xi32> to vector<16x16xf32>
      %dot_general3A_269 = arith.constant dense<0.000000e+00> : vector<16x1xf32>
      %dot_general3A_270 = tpu.matmul %convert_element_type3A_268, %broadcast_in_dim3A_264, %dot_general3A_269 {dimension_numbers = #tpu.dot_dimension_numbers<[1], [0], [0], [1], [0, 0, 1, 1], [], []>, transpose_lhs_hint = false} : vector<16x16xf32>, vector<16x1xf32>, vector<16x1xf32> -> vector<16x1xf32>
      %add3A_271 = vector.broadcast %dot_general3A_270 : vector<16x1xf32> to vector<16x128xf32>
      %add3A_272 = arith.addf %dot_general3A_261, %add3A_271 : vector<16x128xf32>
      %reshape3A_273 = vector.shape_cast %add3A_272 : vector<16x128xf32> to vector<1x2048xf32>
      %sub3A_274 = arith.constant 512 : i32
      %sub3A_275 = arith.subi %sub3A_274, %reduce_sum3A_253 : i32
      %convert_element_type3A_276 = arith.sitofp %sub3A_275 : i32 to f32
      %le3A_277 = vector.broadcast %convert_element_type3A_276 : f32 to vector<1x2048xf32>
      %le3A_278 = arith.cmpf ole, %reshape3A_273, %le3A_277 : vector<1x2048xf32>
      %and3A = arith.andi %eq3A_247, %le3A_278 : vector<1x2048xi1>
      %or3A = arith.ori %gt3A_245, %and3A : vector<1x2048xi1>
      %convert_element_type3A_279 = arith.extui %or3A : vector<1x2048xi1> to vector<1x2048xi32>
      %convert_element_type3A_280 = arith.sitofp %convert_element_type3A_279 : vector<1x2048xi32> to vector<1x2048xf32>
      %reshape3A_281 = vector.shape_cast %convert_element_type3A_280 : vector<1x2048xf32> to vector<16x128xf32>
      %iota3A_282 = tpu.iota {dimensions = array<i32: 0>} : vector<128x128xi32>
      %iota3A_283 = tpu.iota {dimensions = array<i32: 1>} : vector<128x128xi32>
      %le3A_284 = arith.cmpi sle, %iota3A_282, %iota3A_283 : vector<128x128xi32>
      %convert_element_type3A_285 = arith.extui %le3A_284 : vector<128x128xi1> to vector<128x128xi32>
      %convert_element_type3A_286 = arith.sitofp %convert_element_type3A_285 : vector<128x128xi32> to vector<128x128xf32>
      %dot_general3A_287 = arith.constant dense<0.000000e+00> : vector<16x128xf32>
      %dot_general3A_288 = tpu.matmul %reshape3A_281, %convert_element_type3A_286, %dot_general3A_287 {dimension_numbers = #tpu.dot_dimension_numbers<[1], [0], [0], [1], [0, 0, 1, 1], [], []>, transpose_lhs_hint = false} : vector<16x128xf32>, vector<128x128xf32>, vector<16x128xf32> -> vector<16x128xf32>
      %reduce_sum3A_289 = arith.constant dense<0.000000e+00> : vector<16xf32>
      %reduce_sum3A_290 = vector.multi_reduction <add>, %reshape3A_281, %reduce_sum3A_289 [1] : vector<16x128xf32> to vector<16xf32>
      %broadcast_in_dim3A_291 = vector.shape_cast %reduce_sum3A_290 : vector<16xf32> to vector<16x1xf32>
      %iota3A_292 = tpu.iota {dimensions = array<i32: 0>} : vector<16x16xi32>
      %iota3A_293 = tpu.iota {dimensions = array<i32: 1>} : vector<16x16xi32>
      %lt3A_294 = arith.cmpi slt, %iota3A_293, %iota3A_292 : vector<16x16xi32>
      %convert_element_type3A_295 = arith.extui %lt3A_294 : vector<16x16xi1> to vector<16x16xi32>
      %convert_element_type3A_296 = arith.sitofp %convert_element_type3A_295 : vector<16x16xi32> to vector<16x16xf32>
      %dot_general3A_297 = arith.constant dense<0.000000e+00> : vector<16x1xf32>
      %dot_general3A_298 = tpu.matmul %convert_element_type3A_296, %broadcast_in_dim3A_291, %dot_general3A_297 {dimension_numbers = #tpu.dot_dimension_numbers<[1], [0], [0], [1], [0, 0, 1, 1], [], []>, transpose_lhs_hint = false} : vector<16x16xf32>, vector<16x1xf32>, vector<16x1xf32> -> vector<16x1xf32>
      %add3A_299 = vector.broadcast %dot_general3A_298 : vector<16x1xf32> to vector<16x128xf32>
      %add3A_300 = arith.addf %dot_general3A_288, %add3A_299 : vector<16x128xf32>
      %reshape3A_301 = vector.shape_cast %add3A_300 : vector<16x128xf32> to vector<1x2048xf32>
      %sub3A_302 = arith.constant 1.000000e+00 : f32
      %sub3A_303 = vector.broadcast %sub3A_302 : f32 to vector<1x2048xf32>
      %sub3A_304 = arith.subf %reshape3A_301, %sub3A_303 : vector<1x2048xf32>
      %swap3A_305 = arith.constant 0 : index
      %swap3A_306 = arith.constant 0 : index
      %swap3A_307 = arith.constant 0 : index
      %swap3A_308 = vector.load %arg3[%swap3A_305, %swap3A_306, %swap3A_307] : memref<1x1x2048xf32, #tpu.memory_space<vmem>>, vector<1x1x2048xf32>
      %swap3A_309 = vector.shape_cast %swap3A_308 : vector<1x1x2048xf32> to vector<1x2048xf32>
      %swap3A_310 = vector.shape_cast %select_n3A_242 : vector<1x2048xf32> to vector<1x1x2048xf32>
      tpu.vector_store %arg3[%swap3A_305, %swap3A_306, %swap3A_307], %swap3A_310 {strides = array<i32>} : memref<1x1x2048xf32, #tpu.memory_space<vmem>>, vector<1x1x2048xf32>,
      %convert_element_type3A_311 = arith.fptosi %sub3A_304 : vector<1x2048xf32> to vector<1x2048xi32>
      %swap3A_312 = arith.constant 0 : index
      %swap3A_313 = arith.constant 0 : index
      %swap3A_314 = arith.constant 0 : index
      %swap3A_315 = vector.load %arg4[%swap3A_312, %swap3A_313, %swap3A_314] : memref<1x2x2048xi32, #tpu.memory_space<vmem>>, vector<1x1x2048xi32>
      %swap3A_316 = vector.shape_cast %swap3A_315 : vector<1x1x2048xi32> to vector<1x2048xi32>
      %swap3A_317 = vector.shape_cast %convert_element_type3A_311 : vector<1x2048xi32> to vector<1x1x2048xi32>
      tpu.vector_store %arg4[%swap3A_312, %swap3A_313, %swap3A_314], %swap3A_317 {strides = array<i32>} : memref<1x2x2048xi32, #tpu.memory_space<vmem>>, vector<1x1x2048xi32>,
      %convert_element_type3A_318 = arith.extui %or3A : vector<1x2048xi1> to vector<1x2048xi32>
      %swap3A_319 = arith.constant 0 : index
      %swap3A_320 = arith.constant 1 : index
      %swap3A_321 = arith.constant 0 : index
      %swap3A_322 = vector.load %arg4[%swap3A_319, %swap3A_320, %swap3A_321] : memref<1x2x2048xi32, #tpu.memory_space<vmem>>, vector<1x1x2048xi32>
      %swap3A_323 = vector.shape_cast %swap3A_322 : vector<1x1x2048xi32> to vector<1x2048xi32>
      %swap3A_324 = vector.shape_cast %convert_element_type3A_318 : vector<1x2048xi32> to vector<1x1x2048xi32>
      tpu.vector_store %arg4[%swap3A_319, %swap3A_320, %swap3A_321], %swap3A_324 {strides = array<i32>} : memref<1x2x2048xi32, #tpu.memory_space<vmem>>, vector<1x1x2048xi32>,
    } else {
    }
    return
  }
  func.func @transform_0(%arg0: i32, %arg1: i32) -> (i32, i32, i32) {
    %c0_i32 = arith.constant 0 : i32
    %c0_i32_0 = arith.constant 0 : i32
    return %arg0, %arg1, %c0_i32 : i32, i32, i32
  }
  func.func @transform_1(%arg0: i32, %arg1: i32) -> (i32, i32, i32) {
    %c0_i32 = arith.constant 0 : i32
    %c0_i32_0 = arith.constant 0 : i32
    %c0_i32_1 = arith.constant 0 : i32
    return %arg0, %c0_i32, %c0_i32_0 : i32, i32, i32
  }
  func.func @transform_2(%arg0: i32, %arg1: i32) -> (i32, i32, i32) {
    %c0_i32 = arith.constant 0 : i32
    %c0_i32_0 = arith.constant 0 : i32
    %c0_i32_1 = arith.constant 0 : i32
    return %arg0, %c0_i32, %c0_i32_0 : i32, i32, i32
  }
}

</mosaic_0001>

<sc_bundles>
// kernel: kernel.4.cloned.1.call-start
scs
__scs_entry_jumppad:
0x0: {  	(pc) =	sbr.rel $0x88, $3  }
0x1: {  	(tag) =	ssettag $0x0;
	lr =	simm.s32 $0x1  }
0x2: {  	[smem:$0x3F9F] =	sst lr;
	_ =	strace $0xD0000000  }
0x3: {  	_ = 	snop  }
0x4: {  	_ = 	snop  }
0x5: {  	_ = 	snop  }
0x6: {  	_ = 	snop  }
0x7: {  	_ = 	snop  }
__scs_overlays_trampoline_lowered:
0x8: {  	[smem:$0x3FAE] =	sst s0  }
0x9: {  	[smem:$0x3FAF] =	sst s1  }
0xa: {  	[smem:$0x3FB0] =	sst s2  }
0xb: {  	[smem:$0x3FB1] =	sst s3  }
0xc: {  	[smem:$0x3FB2] =	sst s4  }
0xd: {  	[smem:$0x3FB3] =	sst s5  }
0xe: {  	[smem:$0x3FB4] =	sst s6  }
0xf: {  	[smem:$0x3FB5] =	sst s7  }
0x10: {  	[smem:$0x3FB6] =	sst s8  }
0x11: {  	[smem:$0x3FB7] =	sst s9;
	s0 =	simm.s32 @!p0 $0x0  }
0x12: {  	s1 =	sld [smem:$0x3F9D];
	s0 =	simm.s32 @p0 $0x1  }
0x13: {  	[smem:$0x3FB8] =	sst s0;
	s0 =	simm.s32 @!p1 $0x0  }
0x14: {  	s2 =	sld [smem:$0x3F9C];
	s0 =	simm.s32 @p1 $0x1  }
0x15: {  	[smem:$0x3FB9] =	sst s0;
	s0 =	simm.s32 @!p2 $0x0  }
0x16: {  	s3 =	sld [smem:$0x3FDB];
	s0 =	simm.s32 @p2 $0x1  }
0x17: {  	s4 =	simm.s32 $0x1BF5;
	[smem:$0x3FBB] =	sst s0  }
0x18: {  	s0 =	sld [smem:$0x3F9E];
	_ =	swait.ge [sflag:s4], $0x0  }
0x19: {  	s7 =	sld [smem:$0x3F9F]  }
0x1a: {  	s8 =	sadd.s32 $0xFFFFE003, lr  }
0x1b: {  	s9 =	sadd.s32 $0xFFFFFEF7, lr;
	s5 =	simm.s32 $0xFFFFFFFF;
	p2 =	slt.u32 s8, $0xFFFFF086  }
0x1c: {  	p1 =	slt.u32 s9, $0xF7A;
	s5 =	simm.s32 @!p2 $0x0  }
0x1d: {  	s5 =	simm.s32 @p1 $0x1;
	p0 =	seq.s32 s7, s2  }
0x1e: {  	s7 =	smul.u32 @!p0 $0xF7A, s2;
	p2 =	seq.s32 @!p0 s5, $0x0  }
0x1f: {  	s9 =	smul.u32 $0xF7A, s1;
	s8 =	simm.s32 @!p0 $0x1BF5;
	p2 =	por !p2, p0  }
0x20: {  	[sflag:s8] =	ssyncset.s32 @!p0 $0xFFFFF086;
	s6 =	sadd.s32 @!p0 s3, s7;
	s7 =	simm.s32 @!p0 $0x108  }
0x21: {  	s3 =	sadd.s32 s3, s9;
	s6 =	sadd.s32 @!p0 $0x88, s6;
	s7 =	simm.s32 @p2 $0x1082  }
0x22: {  	[simem:s7], [sflag:s8] =	dma.local @!p0 [hbm:s6], $0xF7A  }
0x23: {  	s9 =	sor.u32 $0xD0000000, s2;
	s6 =	simm.s32 $0x108;
	_ =	swait.ge @!p0 [sflag:s8], $0x0  }
0x24: {  	s3 =	sadd.s32 $0x88, s3;
	s6 =	simm.s32 @!p1 $0x1082;
	[sflag:s4] =	ssyncset.s32 $0xFFFFF086  }
0x25: {  	[simem:s6], [sflag:s4] =	dma.local [hbm:s3], $0xF7A  }
0x26: {  	[smem:$0x3F9F] =	sst s1;
	(tag) =	ssettag s2;
	_ =	strace s9  }
0x27: {  	s1 =	sld [smem:$0x3FAF]  }
0x28: {  	s2 =	sld [smem:$0x3FB0]  }
0x29: {  	s4 =	sld [smem:$0x3FB2]  }
0x2a: {  	p0 =	seq.s32 s5, $0x0;
	s5 =	sld [smem:$0x3FB3]  }
0x2b: {  	s6 =	sld [smem:$0x3FB4]  }
0x2c: {  	s7 =	sld [smem:$0x3FB5]  }
0x2d: {  	s3 =	simm.s32 $0x108;
	s8 =	sld [smem:$0x3FB6]  }
0x2e: {  	s3 =	simm.s32 @!p0 $0x1082;
	s9 =	sld [smem:$0x3FB7]  }
0x2f: {  	lr =	sadd.s32 s0, s3;
	s0 =	sld [smem:$0x3FAE]  }
0x30: {  	s3 =	sld [smem:$0x3FB1]  }
0x31: {  	[smem:$0x3FBA] =	sst s10  }
0x32: {  	s10 =	sld [smem:$0x3FB8];
	_ =	sdelay $0x3  }
0x33: {  	p0 =	seq.s32 s10, $0x1;
	s10 =	sld [smem:$0x3FBA];
	_ =	sdelay $0x3  }
0x34: {  	[smem:$0x3FBA] =	sst s10  }
0x35: {  	s10 =	sld [smem:$0x3FB9];
	_ =	sdelay $0x3  }
0x36: {  	p1 =	seq.s32 s10, $0x1;
	s10 =	sld [smem:$0x3FBA];
	_ =	sdelay $0x3  }
0x37: {  	[smem:$0x3FBA] =	sst s10  }
0x38: {  	s10 =	sld [smem:$0x3FBB]  }
0x39: {  	_ = 	snop;
	(pc) =	sbr.ind lr, $3  }
0x3a: {  	_ = 	snop  }
0x3b: {  	_ = 	snop  }
0x3c: {  	p2 =	seq.s32 s10, $0x1;
	s10 =	sld [smem:$0x3FBA]  }
0x3d: {  	_ =	shalt  }
0x3e: {  	_ =	shalt  }
0x3f: {  	_ =	shalt  }
0x40: {  	_ =	shalt  }
0x41: {  	_ =	shalt  }
0x42: {  	_ =	shalt  }
0x43: {  	_ =	shalt  }
0x44: {  	_ =	shalt  }
0x45: {  	_ =	shalt  }
0x46: {  	_ =	shalt  }
0x47: {  	_ =	shalt  }
0x48: {  	_ =	shalt  }
0x49: {  	_ =	shalt  }
0x4a: {  	_ =	shalt  }
0x4b: {  	_ =	shalt  }
0x4c: {  	_ =	shalt  }
0x4d: {  	_ =	shalt  }
0x4e: {  	_ =	shalt  }
0x4f: {  	_ =	shalt  }
0x50: {  	_ =	shalt  }
0x51: {  	_ =	shalt  }
0x52: {  	_ =	shalt  }
0x53: {  	_ =	shalt  }
0x54: {  	_ =	shalt  }
0x55: {  	_ =	shalt  }
0x56: {  	_ =	shalt  }
0x57: {  	_ =	shalt  }
0x58: {  	_ =	shalt  }
0x59: {  	_ =	shalt  }
0x5a: {  	_ =	shalt  }
0x5b: {  	_ =	shalt  }
0x5c: {  	_ =	shalt  }
0x5d: {  	_ =	shalt  }
0x5e: {  	_ =	shalt  }
0x5f: {  	_ =	shalt  }
0x60: {  	_ =	shalt  }
0x61: {  	_ =	shalt  }
0x62: {  	_ =	shalt  }
0x63: {  	_ =	shalt  }
0x64: {  	_ =	shalt  }
0x65: {  	_ =	shalt  }
0x66: {  	_ =	shalt  }
0x67: {  	_ =	shalt  }
0x68: {  	_ =	shalt  }
0x69: {  	_ =	shalt  }
0x6a: {  	_ =	shalt  }
0x6b: {  	_ =	shalt  }
0x6c: {  	_ =	shalt  }
0x6d: {  	_ =	shalt  }
0x6e: {  	_ =	shalt  }
0x6f: {  	_ =	shalt  }
0x70: {  	_ =	shalt  }
0x71: {  	_ =	shalt  }
0x72: {  	_ =	shalt  }
0x73: {  	_ =	shalt  }
0x74: {  	_ =	shalt  }
0x75: {  	_ =	shalt  }
0x76: {  	_ =	shalt  }
0x77: {  	_ =	shalt  }
0x78: {  	_ =	shalt  }
0x79: {  	_ =	shalt  }
0x7a: {  	_ =	shalt  }
0x7b: {  	_ =	shalt  }
0x7c: {  	_ =	shalt  }
0x7d: {  	_ =	shalt  }
0x7e: {  	_ =	shalt  }
0x7f: {  	_ =	shalt  }
0x80: {  	_ =	shalt  }
0x81: {  	_ =	shalt  }
0x82: {  	_ =	shalt  }
0x83: {  	_ =	shalt  }
0x84: {  	_ =	shalt  }
0x85: {  	_ =	shalt  }
0x86: {  	_ =	shalt  }
0x87: {  	_ =	shalt  }
.Lfunc_end0:
.L_simem_size_0:
called_computation_lowered:
.L_overlay_start_0:
0x88: {  	s2 =	sld [smem:$0x3FD9]  }
0x89: {  	s3 =	sld [smem:$0x3FFE];
	_ =	sdelay $0x1  }
0x8a: {  	s1 =	srdreg.scid  }
0x8b: {  	s0 =	sand.u32 $0x1, s1  }
0x8c: {  	s17 =	sshll.u32 s0, $0xA;
	s2 =	sadd.s32 s3, s2  }
0x8d: {  	s2 =	sadd.s32 s2, s17  }
0x8e: {  	[smem:$0x3FC6] =	sst s2  }
0x8f: {  	_ = 	snop  }
0x90: {  	s2 =	sld [smem:$0x3FC9]  }
0x91: {  	s18 =	sld [smem:$0x3FD0];
	(tm) =	ssettm $0x1  }
0x92: {  	s4 =	sld [smem:$0x3FFB];
	_ =	sdelay $0x3  }
0x93: {  	_ =	strace s4  }
0x94: {  	s4 =	sld [smem:$0x3FFC];
	_ =	sdelay $0x3  }
0x95: {  	_ =	strace s4  }
0x96: {  	s4 =	sld [smem:$0x3FFD];
	_ =	sdelay $0x3  }
0x97: {  	_ =	strace s4  }
0x98: {  	_ =	strace $0x8FFFFFFF  }
0x99: {  	s19 =	sld [smem:$0x3FDB];
	_ =	sdelay $0x1  }
0x9a: {  	s5 =	simm.s32 $_scs_section_size  }
0x9b: {  	s6 =	simm.s32 $_size__tile_overlayer_lowered;
	s7 =	simm.s32 $_tile_overlayer_lowered  }
0x9c: {  	s22 =	simm.s32 $0x1BFF;
	s21 =	sshll.u32 s7, $0x1;
	s4 =	sadd.s32 s5, s19  }
0x9d: {  	s8 =	simm.s32 $0x0;
	s20 =	sshll.u32 s6, $0x1;
	s6 =	sadd.s32 s21, s4  }
0x9e: {  	[timem:s8], [sflag:s22] =	dma.local [hbm:s6], s20  }
0x9f: {  	_ =	swait.ge [sflag:s22], s20  }
0xa0: {  	s5 =	ssub.s32 $0x0, s20;
	[sflag:s22] =	ssyncset.done $0x0  }
0xa1: {  	[sflag:s22] =	ssyncadd.s32 s5;
	_ =	sdelay $0x1  }
0xa2: {  	s23 =	simm.s32 $0x1B8B  }
0xa3: {  	_ =	swait.ge [sflag:s23], $0x1  }
0xa4: {  	[sflag:s23] =	ssyncset.done $0x0  }
0xa5: {  	s25 =	simm.s32 $0x1B8E;
	s24 =	sld [smem:$0x3FFE];
	[sflag:s23] =	ssyncadd.s32 $0xFFFFFFFF  }
0xa6: {  	s26 =	simm.s32 $execute0_lowered;
	[smem:$0x3FD2] =	sst s25  }
0xa7: {  	s6 =	sshll.u32 s26, $0x1;
	_ =	strace $0x80000046;
	[dreg:$0x1] =	wrdreg $0xFFFFFFFF  }
0xa8: {  	s28 =	simm.s32 $_size_execute0_lowered;
	s4 =	sadd.s32 s4, s6;
	[dreg:$0x0] =	wrdreg $0x0  }
0xa9: {  	s6 =	sshll.u32 s28, $0x1;
	[dreg:$0x2] =	wrdreg s4  }
0xaa: {  	[dreg:$0x3] =	wrdreg s6  }
0xab: {  	[dreg:$0x4] =	wrdreg $0xC0  }
0xac: {  	_ =	task [dreg:s8], $0x5FFFF  }
0xad: {  	[dreg:$0x1] =	wrdreg $0xFFFFFFFF  }
0xae: {  	[dreg:$0x0] =	wrdreg $0x60  }
0xaf: {  	[dreg:$0x2] =	wrdreg s24  }
0xb0: {  	[dreg:$0x3] =	wrdreg s2  }
0xb1: {  	[dreg:$0x4] =	wrdreg s18  }
0xb2: {  	[dreg:$0x5] =	wrdreg $0x9  }
0xb3: {  	_ =	task.clear_ibuf [dreg:s8], $0x6FFFF;
	_ =	strace $0x90000046  }
0xb4: {  	s29 =	simm.s32 $0x9;
	_ =	strace $0x80000048  }
0xb5: {  	_ =	swait.ge [sflag:s29], $0x1  }
0xb6: {  	[sflag:s29] =	ssyncadd.s32 $0xFFFFFFFF  }
0xb7: {  	_ =	strace $0x90000048  }
0xb8: {  	_ =	sfence  }
0xb9: {  	s30 =	sld [smem:$0x0];
	_ =	sdelay $0x2  }
0xba: {  	s31 =	sshll.u32 s1, $0xD;
	s1 =	sshrl.u32 s1, $0x2  }
0xbb: {  	s3 =	sand.u32 $0x4000, s31;
	s1 =	sadd.s32 s1, s30  }
0xbc: {  	s0 =	sor.u32 s3, s0;
	s1 =	sshll.u32 s1, $0x11  }
0xbd: {  	s0 =	sor.u32 s1, s0  }
0xbe: {  	s0 =	sadd.s32 $0x8F2B, s0  }
0xbf: {  	[sflag:s0] =	ssyncadd.remote.s32 $0x1  }
0xc0: {  	_ =	sfence.sel $0xFFFF  }
0xc1: {  	[dreg:$0x0] =	wrdreg $0xFFFFFFFF;
	(pc) =	sbr.abs _section_cstart, $3  }
0xc2: {  	[dreg:$0x1] =	wrdreg $0xFFFFFFFF  }
0xc3: {  	_ =	task.clear_ibuf [dreg:s8], $0x2FFFF;
	_ =	strace $0x9FFFFFFF  }
0xc4: {  	(tm) =	ssettm $0x7FFFFFFF  }
0xc5: {  	_ =	shalt  }
tec
execute0_lowered:
.L_overlay_start_1:
0x0: {  	(tag) =	ssettag $0x1  }
0x1: {  	s0 =	rddreg [dreg:$0x0]  }
0x2: {  	s2 =	rddreg [dreg:$0x1]  }
0x3: {  	s1 =	rddreg [dreg:$0x2]  }
0x4: {  	s3 =	srdreg.scid;
	s9 =	stileid.u32  }
0x5: {  	s13 =	simm.s32 $0x80;
	s14 =	simm.s32 $0x100;
	s15 =	simm.s32 $0x2  }
0x6: {  	s17 =	simm.s32 $0x1000;
	s18 =	simm.s32 $0x1200;
	s22 =	simm.s32 $0x3200  }
0x7: {  	s28 =	simm.s32 $0x5A00;
	s29 =	simm.s32 $0x6200;
	s30 =	simm.s32 $0x6A00  }
0x8: {  	s31 =	simm.s32 $0x1;
	s5 =	sand.u32 $0x1, s3;
	s3 =	simm.s32 $0x0  }
0x9: {  	s6 =	sshrl.u32 s9, $0x3;
	s23 =	sshll.u32 s9, $0x6;
	s9 =	sadd.s32 $0x100, s2  }
0xa: {  	s10 =	sadd.s32 $0x200, s2;
	s4 =	ssub.s32 $0x2, s5;
	[smem:$0x7FF] =	sst s3  }
0xb: {  	s7 =	sshll.u32 s6, $0x9;
	s24 =	sshll.u32 s5, $0x5;
	s6 =	sshll.u32 s6, $0xB  }
0xc: {  	s8 =	sshrl.u32 s4, $0x1;
	_ =	strace $0x80000047;
	s0 =	sadd.s32 s7, s0  }
0xd: {  	s25 =	sor.u32 s24, s23;
	s7 =	ssub.s32 s23, s7;
	s23 =	simm.s32 $0x3A00  }
0xe: {  	s24 =	simm.s32 $0x4200;
	s12 =	ssub.s32 s4, s8;
	s4 =	sadd.s32 $0x800, s0  }
0xf: {  	s5 =	sadd.s32 $0x810, s0;
	s7 =	sand.u32 $0xFFFFFF80, s7;
	s0 =	sshrl.u32 s25, $0x3  }
0x10: {  	v0 =	vlaneseq.u32;
	s26 =	sand.u32 $0x60, s25;
	s25 =	simm.s32 $0x4A00;
	s0 =	smul.u32 $0x300, s0  }
0x11: {  	vm0 =	vmmov $0xffff;
	v2 =	vshrl.u32 v0, $0x3;
	s7 =	sor.u32 s26, s7;
	s12 =	smax.u32 s12, $0x1;
	s26 =	simm.s32 $0x5200  }
0x12: {  	v1 =	vand.u32 $0x7, v0;
	v3 =	vor.u32 $0x8, v0;
	v2 =	vmul.u32 $0x8, v2;
	s8 =	sadd.s32 $0x1000, s7;
	s11 =	sadd.s32 s1, s0;
	s0 =	simm.s32 $0x0  }
.LBB2_1:
0x13: {  	[tilespmem:s3], [sflag:$0x2] =	stream.strided.gather [hbm4b:s4+s13], $0x800, s14, s13, $0x38;
	[tilespmem:$0x7200] =	vst v63  }
0x14: {  	_ =	swait.ge [sflag:s15], $0x800  }
0x15: {  	[sflag:s15] =	ssyncset.done $0x0  }
0x16: {  	s1 =	simm.s32 $0x800;
	[sflag:s15] =	ssyncadd.s32 $0xFFFFF800  }
0x17: {  	[tilespmem:s1], [sflag:$0x2] =	stream.strided.gather [hbm4b:s5+s13], $0x800, s14, s13, $0x38;
	[tilespmem:$0x7200] =	vst v63  }
0x18: {  	_ =	swait.ge [sflag:s15], $0x800  }
0x19: {  	s16 =	simm.s32 $0x40;
	[sflag:s15] =	ssyncset.done $0x0  }
0x1a: {  	s19 =	simm.s32 $0x0;
	s1 =	simm.s32 $0x840;
	[sflag:s15] =	ssyncadd.s32 $0xFFFFF800  }
.LBB2_2:
0x1b: {  	v4 =	vld [tilespmem:s1+$0xFFFFFFC0];
	_ =	sdelay $0x2  }
0x1c: {  	v5 =	vld [tilespmem:s16+$0xFFFFFFC0];
	_ =	sdelay $0x1  }
0x1d: {  	vm1 =	vne.s32 v4, $0x0;
	_ =	sdelay $0x3  }
0x1e: {  	s20 =	sadd.s32 s19, s6  }
0x1f: {  	v4 =	vor.u32 s20, v0  }
0x20: {  	[tilespmem:v5+s17+$0x0] =	vst.idx.msk vm1, v4  }
0x21: {  	v4 =	vld [tilespmem:s1+$0xFFFFFFD0];
	_ =	sdelay $0x2  }
0x22: {  	v5 =	vld [tilespmem:s16+$0xFFFFFFD0];
	_ =	sdelay $0x1  }
0x23: {  	vm1 =	vne.s32 v4, $0x0;
	_ =	sdelay $0x3  }
0x24: {  	s21 =	sadd.s32 $0x10, s20  }
0x25: {  	v4 =	vor.u32 s21, v0  }
0x26: {  	[tilespmem:v5+s17+$0x0] =	vst.idx.msk vm1, v4  }
0x27: {  	v4 =	vld [tilespmem:s1+$0xFFFFFFE0];
	_ =	sdelay $0x2  }
0x28: {  	v5 =	vld [tilespmem:s16+$0xFFFFFFE0];
	_ =	sdelay $0x1  }
0x29: {  	vm1 =	vne.s32 v4, $0x0;
	_ =	sdelay $0x3  }
0x2a: {  	s21 =	sadd.s32 $0x20, s20  }
0x2b: {  	v4 =	vor.u32 s21, v0  }
0x2c: {  	[tilespmem:v5+s17+$0x0] =	vst.idx.msk vm1, v4  }
0x2d: {  	v4 =	vld [tilespmem:s1+$0xFFFFFFF0];
	_ =	sdelay $0x2  }
0x2e: {  	v5 =	vld [tilespmem:s16+$0xFFFFFFF0];
	_ =	sdelay $0x1  }
0x2f: {  	vm1 =	vne.s32 v4, $0x0;
	_ =	sdelay $0x3  }
0x30: {  	s21 =	sadd.s32 $0x30, s20  }
0x31: {  	v4 =	vor.u32 s21, v0  }
0x32: {  	[tilespmem:v5+s17+$0x0] =	vst.idx.msk vm1, v4  }
0x33: {  	v4 =	vld [tilespmem:s1+$0x0];
	_ =	sdelay $0x2  }
0x34: {  	v5 =	vld [tilespmem:s16+$0x0];
	_ =	sdelay $0x1  }
0x35: {  	vm1 =	vne.s32 v4, $0x0;
	_ =	sdelay $0x3  }
0x36: {  	s21 =	sadd.s32 $0x40, s20  }
0x37: {  	v4 =	vor.u32 s21, v0  }
0x38: {  	[tilespmem:v5+s17+$0x0] =	vst.idx.msk vm1, v4  }
0x39: {  	v4 =	vld [tilespmem:s1+$0x10];
	_ =	sdelay $0x2  }
0x3a: {  	v5 =	vld [tilespmem:s16+$0x10];
	_ =	sdelay $0x1  }
0x3b: {  	vm1 =	vne.s32 v4, $0x0;
	_ =	sdelay $0x3  }
0x3c: {  	s21 =	sadd.s32 $0x50, s20  }
0x3d: {  	v4 =	vor.u32 s21, v0  }
0x3e: {  	[tilespmem:v5+s17+$0x0] =	vst.idx.msk vm1, v4  }
0x3f: {  	v4 =	vld [tilespmem:s1+$0x20];
	_ =	sdelay $0x2  }
0x40: {  	v5 =	vld [tilespmem:s16+$0x20];
	_ =	sdelay $0x1  }
0x41: {  	vm1 =	vne.s32 v4, $0x0;
	_ =	sdelay $0x3  }
0x42: {  	s21 =	sadd.s32 $0x60, s20  }
0x43: {  	v4 =	vor.u32 s21, v0  }
0x44: {  	[tilespmem:v5+s17+$0x0] =	vst.idx.msk vm1, v4  }
0x45: {  	v4 =	vld [tilespmem:s1+$0x30];
	_ =	sdelay $0x2  }
0x46: {  	v5 =	vld [tilespmem:s16+$0x30];
	_ =	sdelay $0x1  }
0x47: {  	vm1 =	vne.s32 v4, $0x0  }
0x48: {  	p0 =	sne.s32 s19, $0x780  }
.Ltmp0:
0x49: {  	_ = 	snop;
	(pc) =	sbr.rel @p0 .LBB2_2-.Ltmp0, $4  }
0x4a: {  	_ = 	snop  }
0x4b: {  	s20 =	sadd.s32 $0x70, s20  }
0x4c: {  	v4 =	vor.u32 s20, v0  }
0x4d: {  	s19 =	sadd.s32 $0x80, s19;
	s1 =	sadd.s32 $0x80, s1;
	s16 =	sadd.s32 $0x80, s16;
	[tilespmem:v5+s17+$0x0] =	vst.idx.msk vm1, v4  }
0x4e: {  	v4 =	vld [tilespmem:s7+$0x1000];
	_ =	sdelay $0x4  }
0x4f: {  	v5 =	vshrl.u32 v4, $0x3  }
0x50: {  	v5 =	vmul.u32 $0x30, v5  }
0x51: {  	v4 =	vand.u32 $0x7, v4  }
0x52: {  	v4 =	vor.u32 v4, v5  }
0x53: {  	v5 =	vperm.xlane v4, v1;
	_ =	sdelay $0x1  }
0x54: {  	v5 =	vadd.s32 v2, v5  }
0x55: {  	v6 =	vld [tilespmem:s8+$0x10];
	_ =	sdelay $0x2  }
0x56: {  	v4 =	vperm.xlane v4, v3  }
0x57: {  	[tilespmem:s18], [sflag:$0x1] =	stream.indirect_vreg.gather [hbm4b:s2+s3], $0x80, v5, vm0, $0xb8;
	[tilespmem:$0x7200] =	vst v63  }
0x58: {  	s1 =	simm.s32 $0x1A00;
	v7 =	vshrl.u32 v6, $0x3;
	v4 =	vadd.s32 v2, v4  }
0x59: {  	v7 =	vmul.u32 $0x30, v7;
	[tilespmem:s1], [sflag:$0x1] =	stream.indirect_vreg.gather [hbm4b:s9+s3], $0x80, v5, vm0, $0xb8;
	[tilespmem:$0x7200] =	vst v63  }
0x5a: {  	s20 =	simm.s32 $0x2200;
	v6 =	vand.u32 $0x7, v6  }
0x5b: {  	[tilespmem:s20], [sflag:$0x1] =	stream.indirect_vreg.gather [hbm4b:s10+s3], $0x80, v5, vm0, $0xb8;
	v5 =	vor.u32 v6, v7;
	[tilespmem:$0x7200] =	vst v63  }
0x5c: {  	s21 =	simm.s32 $0x2A00;
	v6 =	vperm.xlane v5, v1  }
0x5d: {  	[tilespmem:s21], [sflag:$0x1] =	stream.indirect_vreg.gather [hbm4b:s2+s3], $0x80, v4, vm0, $0xb8;
	[tilespmem:$0x7200] =	vst v63  }
0x5e: {  	v6 =	vadd.s32 v2, v6  }
0x5f: {  	[tilespmem:s22], [sflag:$0x1] =	stream.indirect_vreg.gather [hbm4b:s9+s3], $0x80, v4, vm0, $0xb8;
	[tilespmem:$0x7200] =	vst v63  }
0x60: {  	_ = 	snop  }
0x61: {  	[tilespmem:s23], [sflag:$0x1] =	stream.indirect_vreg.gather [hbm4b:s10+s3], $0x80, v4, vm0, $0xb8;
	[tilespmem:$0x7200] =	vst v63  }
0x62: {  	v4 =	vperm.xlane v5, v3  }
0x63: {  	[tilespmem:s24], [sflag:$0x1] =	stream.indirect_vreg.gather [hbm4b:s2+s3], $0x80, v6, vm0, $0xb8;
	[tilespmem:$0x7200] =	vst v63  }
0x64: {  	v4 =	vadd.s32 v2, v4  }
0x65: {  	[tilespmem:s25], [sflag:$0x1] =	stream.indirect_vreg.gather [hbm4b:s9+s3], $0x80, v6, vm0, $0xb8;
	[tilespmem:$0x7200] =	vst v63  }
0x66: {  	_ = 	snop  }
0x67: {  	[tilespmem:s26], [sflag:$0x1] =	stream.indirect_vreg.gather [hbm4b:s10+s3], $0x80, v6, vm0, $0xb8;
	[tilespmem:$0x7200] =	vst v63  }
0x68: {  	_ = 	snop  }
0x69: {  	[tilespmem:s28], [sflag:$0x1] =	stream.indirect_vreg.gather [hbm4b:s2+s3], $0x80, v4, vm0, $0xb8;
	[tilespmem:$0x7200] =	vst v63  }
0x6a: {  	_ = 	snop  }
0x6b: {  	[tilespmem:s29], [sflag:$0x1] =	stream.indirect_vreg.gather [hbm4b:s9+s3], $0x80, v4, vm0, $0xb8;
	[tilespmem:$0x7200] =	vst v63  }
0x6c: {  	_ = 	snop  }
0x6d: {  	[tilespmem:s30], [sflag:$0x1] =	stream.indirect_vreg.gather [hbm4b:s10+s3], $0x80, v4, vm0, $0xb8;
	[tilespmem:$0x7200] =	vst v63  }
0x6e: {  	_ =	swait.ge [sflag:s31], $0x3000  }
0x6f: {  	[sflag:s31] =	ssyncset.done $0x0  }
0x70: {  	[sflag:s31] =	ssyncadd.s32 $0xFFFFD000  }
0x71: {  	s0 =	sadd.s32 $0x1, s0;
	_ =	swait.ge [sflag:s31], $0x3000  }
0x72: {  	p0 =	sne.s32 s0, s12;
	[sflag:s31] =	ssyncset.done $0x0  }
.Ltmp1:
0x73: {  	[sflag:s31] =	ssyncadd.s32 $0xFFFFD000;
	(pc) =	sbr.rel @p0 .LBB2_1-.Ltmp1, $4  }
0x74: {  	[hbm4b:s11+s3] =	stream.linear.scatter [tilespmem:s18], [sflag:$0x2], $0x6000, $0x38;
	[tilespmem:$0x7200] =	vst v63  }
0x75: {  	_ =	swait.ge [sflag:s15], $0x6000  }
0x76: {  	[sflag:s15] =	ssyncset.done $0x0  }
0x77: {  	[sflag:s15] =	ssyncadd.s32 $0xFFFFA000  }
0x78: {  	_ =	sfence.sel $0x180000  }
0x79: {  	[bflag:$0x0] =	sbarrier.arrive $0xFFFF  }
0x7a: {  	_ =	strace $0x90000047  }
0x7b: {  	s0 =	stileid.u32;
	[bflag:$0x2] =	sbarrier.arrive $0xFFFF  }
0x7c: {  	p0 =	sne.s32 s0, $0x0;
	s0 =	rddreg [dreg:$0x3]  }
0x7d: {  	s0 =	sadd.s32 @!p0 $0x100000, s0  }
0x7e: {  	[sflag:s0] =	ssyncadd.tile.s32 @!p0 $0x1;
	_ =	shalt  }
.Lfunc_end2:
_tile_overlayer_lowered:
.L_overlay_start_2:
0x7f: {  	(tag) =	ssettag $0x2  }
0x80: {  	s0 =	rddreg [dreg:$0x0];
	s2 =	stileid.u32  }
0x81: {  	s1 =	rddreg [dreg:$0x1];
	p0 =	sne.s32 s2, $0x0  }
0x82: {  	s3 =	rddreg [dreg:$0x2];
	[bflag:$0x3] =	sbarrier.arrive $0xFFFF;
	s2 =	simm.s32 @!p0 $0x1C02  }
0x83: {  	[timem:s3], [sflag:s2] =	dma.local @!p0 [hbm:s0], s1  }
0x84: {  	s0 =	simm.s32 @!p0 $0x2  }
0x85: {  	_ =	swait.ge @!p0 [sflag:s0], s1  }
0x86: {  	s1 =	ssub.s32 @!p0 $0x0, s1;
	[sflag:s0] =	ssyncset.done @!p0 $0x0  }
0x87: {  	[sflag:s0] =	ssyncadd.s32 @!p0 s1  }
0x88: {  	[bflag:$0x3] =	sbarrier.arrive $0xFFFF  }
0x89: {  	_ =	shalt  }

</sc_bundles>
